<compile_context>
chip_gen: v7x
topology: tpu7x:2x2x1
jax: 0.10.2.dev20260603
libtpu: 0.0.44.dev20260713+nightly
codegen_flags: <defaults>
</compile_context>

<pallas_src>
import functools

import jax
import jax.numpy as jnp
from jax import lax
from jax.experimental import pallas as pl
from jax.experimental.pallas import tpu as pltpu
from jax.experimental.pallas import tpu_sc as plsc

B, T, V, D = 4096, 200, 1000, 64
VA = V + T
LANES = 16
JJ = D // LANES

_info = plsc.get_sparse_core_info()
NC, NS = _info.num_cores, _info.num_subcores
NW = NC * NS
SENT_PER_W = B // NW
WORDS_PER_W = SENT_PER_W * T
NGRP = WORDS_PER_W // LANES
G0 = 128
G1 = T - G0


@functools.partial(
    pl.kernel,
    out_type=jax.ShapeDtypeStruct((B * T, D), jnp.float32),
    mesh=plsc.VectorSubcoreMesh(core_axis_name="c", subcore_axis_name="s"),
    compiler_params=pltpu.CompilerParams(use_tc_tiling_on_sc=False),
    scratch_types=[
        pltpu.VMEM((T * D,), jnp.float32),
        pltpu.VMEM((WORDS_PER_W,), jnp.int32),
        pltpu.VMEM((T, D), jnp.float32),
        pltpu.VMEM((T, D), jnp.float32),
        pltpu.VMEM((T, D), jnp.float32),
        pltpu.VMEM((T, D), jnp.float32),
        pltpu.SemaphoreType.DMA,
        pltpu.SemaphoreType.DMA,
        pltpu.SemaphoreType.DMA,
        pltpu.SemaphoreType.DMA,
        pltpu.SemaphoreType.DMA,
        pltpu.SemaphoreType.DMA,
        pltpu.SemaphoreType.DMA,
        pltpu.SemaphoreType.DMA,
        pltpu.SemaphoreType.DMA,
    ],
)
def _emb_kernel(aug_hbm, x_hbm, pos_hbm, out_hbm,
                pos_v, idx_v, r0, r1, r2, r3,
                si, sg0, sg1, sg2, sg3, so0, so1, so2, so3):
    wid = lax.axis_index("s") * NC + lax.axis_index("c")
    base = wid * SENT_PER_W

    rows = (r0, r1, r2, r3)
    sgs = (sg0, sg1, sg2, sg3)
    sos = (so0, so1, so2, so3)

    pltpu.async_copy(x_hbm.at[pl.ds(base * T, WORDS_PER_W)], idx_v, si)
    pltpu.sync_copy(pos_hbm, pos_v)
    pltpu.make_async_copy(
        x_hbm.at[pl.ds(0, WORDS_PER_W)], idx_v, si).wait()

    lane_iota = lax.iota(jnp.int32, LANES)

    def grp(k, carry):
        xg = idx_v[pl.ds(k * LANES, LANES)]
        tv = lax.rem(k * LANES + lane_iota, T)
        idxg = jnp.where(xg == 2, V + tv, xg)
        idx_v[pl.ds(k * LANES, LANES)] = jnp.clip(idxg, 0, VA - 1) + wid * VA
        return carry

    lax.fori_loop(0, NGRP, grp, 0, unroll=4)

    def fire_gather(c, slot):
        pltpu.async_copy(
            aug_hbm.at[idx_v.at[pl.ds(c * T, T)]], rows[slot], sgs[slot])

    def wait_gather(slot):
        pltpu.make_async_copy(
            aug_hbm.at[idx_v.at[pl.ds(0, T)]], rows[slot], sgs[slot]).wait()

    def add_pos(slot):
        rv = rows[slot]

        def row(r, carry):
            rbase = r * D
            for jj in range(JJ):
                sl = pl.ds(jj * LANES, LANES)
                plsc.addupdate(
                    rv.at[r, sl], pos_v[pl.ds(rbase + jj * LANES, LANES)])
            return carry

        lax.fori_loop(0, T, row, 0, unroll=4)

    def fire_out(c, slot):
        pltpu.async_copy(
            rows[slot], out_hbm.at[pl.ds((base + c) * T, T)], sos[slot])

    def wait_out(slot):
        pltpu.make_async_copy(
            rows[slot], out_hbm.at[pl.ds(0, T)], sos[slot]).wait()

    fire_gather(0, 0)
    fire_gather(1, 1)

    def super_step(g, carry):
        for slot in (0, 1, 2, 3):
            c = g * 4 + slot
            nslot = (slot + 2) % 4

            @pl.when(c >= 2)
            def _():
                wait_out(nslot)

            @pl.when(c + 2 < SENT_PER_W)
            def _():
                fire_gather(c + 2, nslot)

            wait_gather(slot)
            add_pos(slot)
            fire_out(c, slot)
        return carry

    lax.fori_loop(0, SENT_PER_W // 4, super_step, 0)

    wait_out(2)
    wait_out(3)




def kernel(x, start_token, end_token, tok_table, pos_table):
    aug = jnp.concatenate([tok_table, jnp.float32(-5.0) - pos_table], axis=0)
    aug = jnp.tile(aug, (NW, 1))
    out = _emb_kernel(
        aug, x.reshape(-1).astype(jnp.int32), pos_table.reshape(-1)
    )
    return out.reshape(B, T, D)

# --- scband reference (transcript-rebuilt; emitter-appended) ---
"""Pipeline reference for scband-sentence-embedding-17798344475167 (READ-ONLY COPY).

The authoritative reference and input builder live on the scoring server;
editing this copy changes nothing except your own understanding.
"""

import jax, jax.numpy as jnp
import numpy as np

B, T, V, D = 4096, 200, 1000, 64

def setup_inputs(seed: int = 0):
    key = jax.random.key(seed)
    k1, k2, k3 = jax.random.split(key, 3)
    x = jax.random.randint(k1, (B, T), 0, V)
    tok_table = jax.random.normal(k2, (V, D), dtype=jnp.float32)
    pos_table = jax.random.normal(k3, (T, D), dtype=jnp.float32)
    return {"x": x, "start_token": 1, "end_token": 1, "tok_table": tok_table, "pos_table": pos_table}

def reference(x, start_token, end_token, tok_table, pos_table):
    # tokenize_batch is string preprocessing; we model forward on pre-tokenized
    # integer indices x of shape [B, T] (values already in [0, vocab_size)).
    Bx, Tx = x.shape
    mask = (x == 2)  # padding-token mask as in the original forward
    tok_emb = jnp.take(tok_table, x, axis=0)          # token embedding gather
    pos_emb = jnp.take(pos_table, jnp.arange(Tx), axis=0)  # positional embedding
    out = tok_emb + pos_emb[None, :, :]
    # dropout in eval mode -> identity
    out = jnp.where(mask[:, :, None], jnp.float32(-5.0), out)  # x[mask]=-5
    return out

if __name__ == "__main__":
    import jax
    _d = setup_inputs()
    print(jax.jit(kernel)(*tuple(_d.values())))

</pallas_src>

<mosaic_0001>
#map = affine_map<(d0, d1) -> (0, 0)>
#map1 = affine_map<(d0, d1) -> (0)>
module attributes {stable_mosaic.version = 14 : i64} {
  func.func @_emb_kernel(%arg0: i32, %arg1: i32, %arg2: memref<38400x64xf32, #tpu.memory_space<hbm>>, %arg3: memref<819200xi32, #tpu.memory_space<hbm>>, %arg4: memref<12800xf32, #tpu.memory_space<hbm>>, %arg5: memref<819200x64xf32, #tpu.memory_space<hbm>>, %arg6: memref<12800xf32, #tpu.memory_space<vmem>>, %arg7: memref<25600xi32, #tpu.memory_space<vmem>>, %arg8: memref<200x64xf32, #tpu.memory_space<vmem>>, %arg9: memref<200x64xf32, #tpu.memory_space<vmem>>, %arg10: memref<200x64xf32, #tpu.memory_space<vmem>>, %arg11: memref<200x64xf32, #tpu.memory_space<vmem>>, %arg12: memref<!tpu.dma_semaphore, #tpu.memory_space<semaphore_mem>>, %arg13: memref<!tpu.dma_semaphore, #tpu.memory_space<semaphore_mem>>, %arg14: memref<!tpu.dma_semaphore, #tpu.memory_space<semaphore_mem>>, %arg15: memref<!tpu.dma_semaphore, #tpu.memory_space<semaphore_mem>>, %arg16: memref<!tpu.dma_semaphore, #tpu.memory_space<semaphore_mem>>, %arg17: memref<!tpu.dma_semaphore, #tpu.memory_space<semaphore_mem>>, %arg18: memref<!tpu.dma_semaphore, #tpu.memory_space<semaphore_mem>>, %arg19: memref<!tpu.dma_semaphore, #tpu.memory_space<semaphore_mem>>, %arg20: memref<!tpu.dma_semaphore, #tpu.memory_space<semaphore_mem>>) attributes {dimension_semantics = [#tpu.dimension_semantics<core_parallel>, #tpu.dimension_semantics<subcore_parallel>], iteration_bounds = array<i64: 2, 16>, scalar_prefetch = 0 : i64, scratch_operands = 15 : i64, tpu.core_type = #tpu.core_type<sc_vector_subcore>, window_params = [{transform_indices = #map}, {transform_indices = #map1}, {transform_indices = #map1}, {transform_indices = #map}]} {
    %mul3A = arith.constant 2 : i32
    %mul3A_0 = arith.muli %arg1, %mul3A : i32
    %add3A = arith.addi %mul3A_0, %arg0 : i32
    %mul3A_1 = arith.constant 128 : i32
    %mul3A_2 = arith.muli %add3A, %mul3A_1 : i32
    %mul3A_3 = arith.constant 200 : i32
    %mul3A_4 = arith.muli %mul3A_2, %mul3A_3 : i32
    %dma_start3A = tpu.memref_slice %arg3[%mul3A_4] : memref<819200xi32, #tpu.memory_space<hbm>> -> memref<25600xi32, #tpu.memory_space<hbm>>
    %dma_start3A_5 = tpu.memref_slice %arg3[%mul3A_4] : memref<819200xi32, #tpu.memory_space<hbm>> -> memref<25600xi32, #tpu.memory_space<hbm>>
    tpu.enqueue_dma source(%dma_start3A_5 : memref<25600xi32, #tpu.memory_space<hbm>>) target(%arg7 : memref<25600xi32, #tpu.memory_space<vmem>>) target_semaphore(%arg12 : memref<!tpu.dma_semaphore, #tpu.memory_space<semaphore_mem>>)
    "tpu.region"() ({
      %run_scoped3A = tpu.sem_alloc : memref<!tpu.dma_semaphore, #tpu.memory_space<semaphore_mem>>
      tpu.enqueue_dma source(%arg4 : memref<12800xf32, #tpu.memory_space<hbm>>) target(%arg6 : memref<12800xf32, #tpu.memory_space<vmem>>) target_semaphore(%run_scoped3A : memref<!tpu.dma_semaphore, #tpu.memory_space<semaphore_mem>>)
      tpu.wait_dma2 semaphore(%run_scoped3A : memref<!tpu.dma_semaphore, #tpu.memory_space<semaphore_mem>>) src(%arg4 : memref<12800xf32, #tpu.memory_space<hbm>>) dst(%arg6 : memref<12800xf32, #tpu.memory_space<vmem>>)
      tpu.yield
    }) : () -> ()
    %dma_wait3A = arith.constant 0 : i32
    %dma_wait3A_6 = tpu.memref_slice %arg3[%dma_wait3A] : memref<819200xi32, #tpu.memory_space<hbm>> -> memref<25600xi32, #tpu.memory_space<hbm>>
    %dma_wait3A_7 = arith.constant 0 : i32
    %dma_wait3A_8 = tpu.memref_slice %arg3[%dma_wait3A_7] : memref<819200xi32, #tpu.memory_space<hbm>> -> memref<25600xi32, #tpu.memory_space<hbm>>
    tpu.wait_dma2 semaphore(%arg12 : memref<!tpu.dma_semaphore, #tpu.memory_space<semaphore_mem>>) src(%dma_wait3A_8 : memref<25600xi32, #tpu.memory_space<hbm>>) dst(%arg7 : memref<25600xi32, #tpu.memory_space<vmem>>)
    %iota3A = tpu.iota {dimensions = array<i32: 0>} : vector<16xi32>
    %scan3A = arith.constant 0 : i32
    %scan3A_9 = arith.constant 0 : i32
    %scan3A_10 = arith.constant 1600 : i32
    %scan3A_11 = arith.addi %scan3A_9, %scan3A_10 : i32
    %scan3A_12 = arith.constant 4 : i32
    scf.for %scan3A_42 = %scan3A_9 to %scan3A_11 step %scan3A_12  : i32 {
      %mul3A_43 = arith.constant 16 : i32
      %mul3A_44 = arith.muli %scan3A_42, %mul3A_43 : i32
      %get3A = arith.index_cast %mul3A_44 : i32 to index
      %get3A_45 = tpu.vector_load %arg7[%get3A] {strides = array<i32>} : memref<25600xi32, #tpu.memory_space<vmem>>, vector<16xi32>,
      %get3A_46 = vector.shape_cast %get3A_45 : vector<16xi32> to vector<16xi32>
      %mul3A_47 = arith.constant 16 : i32
      %mul3A_48 = arith.muli %scan3A_42, %mul3A_47 : i32
      %add3A_49 = vector.broadcast %mul3A_48 : i32 to vector<16xi32>
      %add3A_50 = arith.addi %add3A_49, %iota3A : vector<16xi32>
      %rem3A = arith.constant 200 : i32
      %rem3A_51 = vector.broadcast %rem3A : i32 to vector<16xi32>
      %rem3A_52 = arith.remsi %add3A_50, %rem3A_51 : vector<16xi32>
      %eq3A = arith.constant 2 : i32
      %eq3A_53 = vector.broadcast %eq3A : i32 to vector<16xi32>
      %eq3A_54 = arith.cmpi eq, %get3A_46, %eq3A_53 : vector<16xi32>
      %add3A_55 = arith.constant 1000 : i32
      %add3A_56 = vector.broadcast %add3A_55 : i32 to vector<16xi32>
      %add3A_57 = arith.addi %add3A_56, %rem3A_52 : vector<16xi32>
      %select_n3A = arith.select %eq3A_54, %add3A_57, %get3A_46 : vector<16xi1>, vector<16xi32>
      %jit3A = arith.constant 0 : i32
      %jit3A_58 = arith.constant 1199 : i32
      %max3A = vector.broadcast %jit3A : i32 to vector<16xi32>
      %max3A_59 = arith.maxsi %max3A, %select_n3A : vector<16xi32>
      %min3A = vector.broadcast %jit3A_58 : i32 to vector<16xi32>
      %min3A_60 = arith.minsi %min3A, %max3A_59 : vector<16xi32>
      %mul3A_61 = arith.constant 1200 : i32
      %mul3A_62 = arith.muli %add3A, %mul3A_61 : i32
      %add3A_63 = vector.broadcast %mul3A_62 : i32 to vector<16xi32>
      %add3A_64 = arith.addi %min3A_60, %add3A_63 : vector<16xi32>
      %mul3A_65 = arith.constant 16 : i32
      %mul3A_66 = arith.muli %scan3A_42, %mul3A_65 : i32
      %swap3A = arith.index_cast %mul3A_66 : i32 to index
      %swap3A_67 = tpu.vector_load %arg7[%swap3A] {strides = array<i32>} : memref<25600xi32, #tpu.memory_space<vmem>>, vector<16xi32>,
      %swap3A_68 = vector.shape_cast %swap3A_67 : vector<16xi32> to vector<16xi32>
      %swap3A_69 = vector.shape_cast %add3A_64 : vector<16xi32> to vector<16xi32>
      tpu.vector_store %arg7[%swap3A], %swap3A_69 {strides = array<i32>} : memref<25600xi32, #tpu.memory_space<vmem>>, vector<16xi32>,
      %scan3A_70 = arith.constant 1 : i32
      %scan3A_71 = arith.addi %scan3A_42, %scan3A_70 : i32
      %mul3A_72 = arith.constant 16 : i32
      %mul3A_73 = arith.muli %scan3A_71, %mul3A_72 : i32
      %get3A_74 = arith.index_cast %mul3A_73 : i32 to index
      %get3A_75 = tpu.vector_load %arg7[%get3A_74] {strides = array<i32>} : memref<25600xi32, #tpu.memory_space<vmem>>, vector<16xi32>,
      %get3A_76 = vector.shape_cast %get3A_75 : vector<16xi32> to vector<16xi32>
      %mul3A_77 = arith.constant 16 : i32
      %mul3A_78 = arith.muli %scan3A_71, %mul3A_77 : i32
      %add3A_79 = vector.broadcast %mul3A_78 : i32 to vector<16xi32>
      %add3A_80 = arith.addi %add3A_79, %iota3A : vector<16xi32>
      %rem3A_81 = arith.constant 200 : i32
      %rem3A_82 = vector.broadcast %rem3A_81 : i32 to vector<16xi32>
      %rem3A_83 = arith.remsi %add3A_80, %rem3A_82 : vector<16xi32>
      %eq3A_84 = arith.constant 2 : i32
      %eq3A_85 = vector.broadcast %eq3A_84 : i32 to vector<16xi32>
      %eq3A_86 = arith.cmpi eq, %get3A_76, %eq3A_85 : vector<16xi32>
      %add3A_87 = arith.constant 1000 : i32
      %add3A_88 = vector.broadcast %add3A_87 : i32 to vector<16xi32>
      %add3A_89 = arith.addi %add3A_88, %rem3A_83 : vector<16xi32>
      %select_n3A_90 = arith.select %eq3A_86, %add3A_89, %get3A_76 : vector<16xi1>, vector<16xi32>
      %jit3A_91 = arith.constant 0 : i32
      %jit3A_92 = arith.constant 1199 : i32
      %max3A_93 = vector.broadcast %jit3A_91 : i32 to vector<16xi32>
      %max3A_94 = arith.maxsi %max3A_93, %select_n3A_90 : vector<16xi32>
      %min3A_95 = vector.broadcast %jit3A_92 : i32 to vector<16xi32>
      %min3A_96 = arith.minsi %min3A_95, %max3A_94 : vector<16xi32>
      %mul3A_97 = arith.constant 1200 : i32
      %mul3A_98 = arith.muli %add3A, %mul3A_97 : i32
      %add3A_99 = vector.broadcast %mul3A_98 : i32 to vector<16xi32>
      %add3A_100 = arith.addi %min3A_96, %add3A_99 : vector<16xi32>
      %mul3A_101 = arith.constant 16 : i32
      %mul3A_102 = arith.muli %scan3A_71, %mul3A_101 : i32
      %swap3A_103 = arith.index_cast %mul3A_102 : i32 to index
      %swap3A_104 = tpu.vector_load %arg7[%swap3A_103] {strides = array<i32>} : memref<25600xi32, #tpu.memory_space<vmem>>, vector<16xi32>,
      %swap3A_105 = vector.shape_cast %swap3A_104 : vector<16xi32> to vector<16xi32>
      %swap3A_106 = vector.shape_cast %add3A_100 : vector<16xi32> to vector<16xi32>
      tpu.vector_store %arg7[%swap3A_103], %swap3A_106 {strides = array<i32>} : memref<25600xi32, #tpu.memory_space<vmem>>, vector<16xi32>,
      %scan3A_107 = arith.constant 2 : i32
      %scan3A_108 = arith.addi %scan3A_42, %scan3A_107 : i32
      %mul3A_109 = arith.constant 16 : i32
      %mul3A_110 = arith.muli %scan3A_108, %mul3A_109 : i32
      %get3A_111 = arith.index_cast %mul3A_110 : i32 to index
      %get3A_112 = tpu.vector_load %arg7[%get3A_111] {strides = array<i32>} : memref<25600xi32, #tpu.memory_space<vmem>>, vector<16xi32>,
      %get3A_113 = vector.shape_cast %get3A_112 : vector<16xi32> to vector<16xi32>
      %mul3A_114 = arith.constant 16 : i32
      %mul3A_115 = arith.muli %scan3A_108, %mul3A_114 : i32
      %add3A_116 = vector.broadcast %mul3A_115 : i32 to vector<16xi32>
      %add3A_117 = arith.addi %add3A_116, %iota3A : vector<16xi32>
      %rem3A_118 = arith.constant 200 : i32
      %rem3A_119 = vector.broadcast %rem3A_118 : i32 to vector<16xi32>
      %rem3A_120 = arith.remsi %add3A_117, %rem3A_119 : vector<16xi32>
      %eq3A_121 = arith.constant 2 : i32
      %eq3A_122 = vector.broadcast %eq3A_121 : i32 to vector<16xi32>
      %eq3A_123 = arith.cmpi eq, %get3A_113, %eq3A_122 : vector<16xi32>
      %add3A_124 = arith.constant 1000 : i32
      %add3A_125 = vector.broadcast %add3A_124 : i32 to vector<16xi32>
      %add3A_126 = arith.addi %add3A_125, %rem3A_120 : vector<16xi32>
      %select_n3A_127 = arith.select %eq3A_123, %add3A_126, %get3A_113 : vector<16xi1>, vector<16xi32>
      %jit3A_128 = arith.constant 0 : i32
      %jit3A_129 = arith.constant 1199 : i32
      %max3A_130 = vector.broadcast %jit3A_128 : i32 to vector<16xi32>
      %max3A_131 = arith.maxsi %max3A_130, %select_n3A_127 : vector<16xi32>
      %min3A_132 = vector.broadcast %jit3A_129 : i32 to vector<16xi32>
      %min3A_133 = arith.minsi %min3A_132, %max3A_131 : vector<16xi32>
      %mul3A_134 = arith.constant 1200 : i32
      %mul3A_135 = arith.muli %add3A, %mul3A_134 : i32
      %add3A_136 = vector.broadcast %mul3A_135 : i32 to vector<16xi32>
      %add3A_137 = arith.addi %min3A_133, %add3A_136 : vector<16xi32>
      %mul3A_138 = arith.constant 16 : i32
      %mul3A_139 = arith.muli %scan3A_108, %mul3A_138 : i32
      %swap3A_140 = arith.index_cast %mul3A_139 : i32 to index
      %swap3A_141 = tpu.vector_load %arg7[%swap3A_140] {strides = array<i32>} : memref<25600xi32, #tpu.memory_space<vmem>>, vector<16xi32>,
      %swap3A_142 = vector.shape_cast %swap3A_141 : vector<16xi32> to vector<16xi32>
      %swap3A_143 = vector.shape_cast %add3A_137 : vector<16xi32> to vector<16xi32>
      tpu.vector_store %arg7[%swap3A_140], %swap3A_143 {strides = array<i32>} : memref<25600xi32, #tpu.memory_space<vmem>>, vector<16xi32>,
      %scan3A_144 = arith.constant 3 : i32
      %scan3A_145 = arith.addi %scan3A_42, %scan3A_144 : i32
      %mul3A_146 = arith.constant 16 : i32
      %mul3A_147 = arith.muli %scan3A_145, %mul3A_146 : i32
      %get3A_148 = arith.index_cast %mul3A_147 : i32 to index
      %get3A_149 = tpu.vector_load %arg7[%get3A_148] {strides = array<i32>} : memref<25600xi32, #tpu.memory_space<vmem>>, vector<16xi32>,
      %get3A_150 = vector.shape_cast %get3A_149 : vector<16xi32> to vector<16xi32>
      %mul3A_151 = arith.constant 16 : i32
      %mul3A_152 = arith.muli %scan3A_145, %mul3A_151 : i32
      %add3A_153 = vector.broadcast %mul3A_152 : i32 to vector<16xi32>
      %add3A_154 = arith.addi %add3A_153, %iota3A : vector<16xi32>
      %rem3A_155 = arith.constant 200 : i32
      %rem3A_156 = vector.broadcast %rem3A_155 : i32 to vector<16xi32>
      %rem3A_157 = arith.remsi %add3A_154, %rem3A_156 : vector<16xi32>
      %eq3A_158 = arith.constant 2 : i32
      %eq3A_159 = vector.broadcast %eq3A_158 : i32 to vector<16xi32>
      %eq3A_160 = arith.cmpi eq, %get3A_150, %eq3A_159 : vector<16xi32>
      %add3A_161 = arith.constant 1000 : i32
      %add3A_162 = vector.broadcast %add3A_161 : i32 to vector<16xi32>
      %add3A_163 = arith.addi %add3A_162, %rem3A_157 : vector<16xi32>
      %select_n3A_164 = arith.select %eq3A_160, %add3A_163, %get3A_150 : vector<16xi1>, vector<16xi32>
      %jit3A_165 = arith.constant 0 : i32
      %jit3A_166 = arith.constant 1199 : i32
      %max3A_167 = vector.broadcast %jit3A_165 : i32 to vector<16xi32>
      %max3A_168 = arith.maxsi %max3A_167, %select_n3A_164 : vector<16xi32>
      %min3A_169 = vector.broadcast %jit3A_166 : i32 to vector<16xi32>
      %min3A_170 = arith.minsi %min3A_169, %max3A_168 : vector<16xi32>
      %mul3A_171 = arith.constant 1200 : i32
      %mul3A_172 = arith.muli %add3A, %mul3A_171 : i32
      %add3A_173 = vector.broadcast %mul3A_172 : i32 to vector<16xi32>
      %add3A_174 = arith.addi %min3A_170, %add3A_173 : vector<16xi32>
      %mul3A_175 = arith.constant 16 : i32
      %mul3A_176 = arith.muli %scan3A_145, %mul3A_175 : i32
      %swap3A_177 = arith.index_cast %mul3A_176 : i32 to index
      %swap3A_178 = tpu.vector_load %arg7[%swap3A_177] {strides = array<i32>} : memref<25600xi32, #tpu.memory_space<vmem>>, vector<16xi32>,
      %swap3A_179 = vector.shape_cast %swap3A_178 : vector<16xi32> to vector<16xi32>
      %swap3A_180 = vector.shape_cast %add3A_174 : vector<16xi32> to vector<16xi32>
      tpu.vector_store %arg7[%swap3A_177], %swap3A_180 {strides = array<i32>} : memref<25600xi32, #tpu.memory_space<vmem>>, vector<16xi32>,
    }
    %scan3A_13 = arith.constant 1600 : i32
    %dma_start3A_14 = arith.constant 0 : i32
    %dma_start3A_15 = tpu.memref_slice %arg7[%dma_start3A_14] : memref<25600xi32, #tpu.memory_space<vmem>> -> memref<200xi32, #tpu.memory_space<vmem>>
    %dma_start3A_16 = arith.constant 0 : i32
    %dma_start3A_17 = arith.constant 0 : i32
    %dma_start3A_18 = tpu.memref_slice %arg2[%dma_start3A_16, %dma_start3A_17] : memref<38400x64xf32, #tpu.memory_space<hbm>> -> memref<38400x64xf32, #tpu.memory_space<hbm>>
    tpu.enqueue_indirect_dma source(%dma_start3A_18 : memref<38400x64xf32, #tpu.memory_space<hbm>>) target(%arg8 : memref<200x64xf32, #tpu.memory_space<vmem>>) offsets(%dma_start3A_15 : memref<200xi32, #tpu.memory_space<vmem>>) semaphore(%arg13 : memref<!tpu.dma_semaphore, #tpu.memory_space<semaphore_mem>>)
    %dma_start3A_19 = arith.constant 200 : i32
    %dma_start3A_20 = tpu.memref_slice %arg7[%dma_start3A_19] : memref<25600xi32, #tpu.memory_space<vmem>> -> memref<200xi32, #tpu.memory_space<vmem>>
    %dma_start3A_21 = arith.constant 0 : i32
    %dma_start3A_22 = arith.constant 0 : i32
    %dma_start3A_23 = tpu.memref_slice %arg2[%dma_start3A_21, %dma_start3A_22] : memref<38400x64xf32, #tpu.memory_space<hbm>> -> memref<38400x64xf32, #tpu.memory_space<hbm>>
    tpu.enqueue_indirect_dma source(%dma_start3A_23 : memref<38400x64xf32, #tpu.memory_space<hbm>>) target(%arg9 : memref<200x64xf32, #tpu.memory_space<vmem>>) offsets(%dma_start3A_20 : memref<200xi32, #tpu.memory_space<vmem>>) semaphore(%arg14 : memref<!tpu.dma_semaphore, #tpu.memory_space<semaphore_mem>>)
    %scan3A_24 = arith.constant 0 : i32
    %scan3A_25 = arith.constant 0 : i32
    %scan3A_26 = arith.constant 32 : i32
    %scan3A_27 = arith.addi %scan3A_25, %scan3A_26 : i32
    %scan3A_28 = arith.constant 1 : i32
    scf.for %scan3A_42 = %scan3A_25 to %scan3A_27 step %scan3A_28  : i32 {
      %mul3A_43 = arith.constant 4 : i32
      %mul3A_44 = arith.muli %scan3A_42, %mul3A_43 : i32
      %add3A_45 = arith.constant 0 : i32
      %add3A_46 = arith.addi %mul3A_44, %add3A_45 : i32
      %ge3A = arith.constant 2 : i32
      %ge3A_47 = arith.cmpi sge, %add3A_46, %ge3A : i32
      %convert_element_type3A = arith.extui %ge3A_47 : i1 to i32
      %cond3A = arith.constant 0 : i32
      %cond3A_48 = arith.cmpi ne, %convert_element_type3A, %cond3A : i32
      scf.if %cond3A_48 {
        %dma_wait3A_175 = arith.constant 0 : i32
        %dma_wait3A_176 = arith.constant 0 : i32
        %dma_wait3A_177 = tpu.memref_slice %arg5[%dma_wait3A_175, %dma_wait3A_176] : memref<819200x64xf32, #tpu.memory_space<hbm>> -> memref<200x64xf32, #tpu.memory_space<hbm>>
        %dma_wait3A_178 = arith.constant 0 : i32
        %dma_wait3A_179 = arith.constant 0 : i32
        %dma_wait3A_180 = tpu.memref_slice %arg5[%dma_wait3A_178, %dma_wait3A_179] : memref<819200x64xf32, #tpu.memory_space<hbm>> -> memref<200x64xf32, #tpu.memory_space<hbm>>
        tpu.wait_dma2 semaphore(%arg19 : memref<!tpu.dma_semaphore, #tpu.memory_space<semaphore_mem>>) src(%arg10 : memref<200x64xf32, #tpu.memory_space<vmem>>) dst(%dma_wait3A_180 : memref<200x64xf32, #tpu.memory_space<hbm>>)
      } else {
      }
      %add3A_49 = arith.constant 2 : i32
      %add3A_50 = arith.addi %add3A_46, %add3A_49 : i32
      %lt3A = arith.constant 128 : i32
      %lt3A_51 = arith.cmpi slt, %add3A_50, %lt3A : i32
      %convert_element_type3A_52 = arith.extui %lt3A_51 : i1 to i32
      %cond3A_53 = arith.constant 0 : i32
      %cond3A_54 = arith.cmpi ne, %convert_element_type3A_52, %cond3A_53 : i32
      scf.if %cond3A_54 {
        %add3A_175 = arith.constant 2 : i32
        %add3A_176 = arith.addi %add3A_46, %add3A_175 : i32
        %mul3A_177 = arith.constant 200 : i32
        %mul3A_178 = arith.muli %add3A_176, %mul3A_177 : i32
        %dma_start3A_179 = tpu.memref_slice %arg7[%mul3A_178] : memref<25600xi32, #tpu.memory_space<vmem>> -> memref<200xi32, #tpu.memory_space<vmem>>
        %dma_start3A_180 = arith.constant 0 : i32
        %dma_start3A_181 = arith.constant 0 : i32
        %dma_start3A_182 = tpu.memref_slice %arg2[%dma_start3A_180, %dma_start3A_181] : memref<38400x64xf32, #tpu.memory_space<hbm>> -> memref<38400x64xf32, #tpu.memory_space<hbm>>
        tpu.enqueue_indirect_dma source(%dma_start3A_182 : memref<38400x64xf32, #tpu.memory_space<hbm>>) target(%arg10 : memref<200x64xf32, #tpu.memory_space<vmem>>) offsets(%dma_start3A_179 : memref<200xi32, #tpu.memory_space<vmem>>) semaphore(%arg15 : memref<!tpu.dma_semaphore, #tpu.memory_space<semaphore_mem>>)
      } else {
      }
      %dma_wait3A_55 = arith.constant 0 : i32
      %dma_wait3A_56 = tpu.memref_slice %arg7[%dma_wait3A_55] : memref<25600xi32, #tpu.memory_space<vmem>> -> memref<200xi32, #tpu.memory_space<vmem>>
      %dma_wait3A_57 = arith.constant 0 : i32
      %dma_wait3A_58 = arith.constant 0 : i32
      %dma_wait3A_59 = tpu.memref_slice %arg2[%dma_wait3A_57, %dma_wait3A_58] : memref<38400x64xf32, #tpu.memory_space<hbm>> -> memref<38400x64xf32, #tpu.memory_space<hbm>>
      tpu.wait_indirect_dma semaphore(%arg13 : memref<!tpu.dma_semaphore, #tpu.memory_space<semaphore_mem>>) src(%dma_wait3A_59 : memref<38400x64xf32, #tpu.memory_space<hbm>>) dst(%arg8 : memref<200x64xf32, #tpu.memory_space<vmem>>)
      %scan3A_60 = arith.constant 0 : i32
      %scan3A_61 = arith.constant 0 : i32
      %scan3A_62 = arith.constant 200 : i32
      %scan3A_63 = arith.addi %scan3A_61, %scan3A_62 : i32
      %scan3A_64 = arith.constant 4 : i32
      scf.for %scan3A_175 = %scan3A_61 to %scan3A_63 step %scan3A_64  : i32 {
        %mul3A_176 = arith.constant 64 : i32
        %mul3A_177 = arith.muli %scan3A_175, %mul3A_176 : i32
        %add3A_178 = arith.constant 0 : i32
        %add3A_179 = arith.addi %mul3A_177, %add3A_178 : i32
        %get3A = arith.index_cast %add3A_179 : i32 to index
        %get3A_180 = tpu.vector_load %arg6[%get3A] {strides = array<i32>} : memref<12800xf32, #tpu.memory_space<vmem>>, vector<16xf32>,
        %get3A_181 = vector.shape_cast %get3A_180 : vector<16xf32> to vector<16xf32>
        %swap3A = arith.index_cast %scan3A_175 : i32 to index
        %swap3A_182 = arith.constant 0 : index
        %swap3A_183 = tpu.vector_load %arg8[%swap3A, %swap3A_182] {strides = array<i32>} : memref<200x64xf32, #tpu.memory_space<vmem>>, vector<1x16xf32>,
        %swap3A_184 = vector.shape_cast %swap3A_183 : vector<1x16xf32> to vector<16xf32>
        %swap3A_185 = vector.shape_cast %get3A_181 : vector<16xf32> to vector<1x16xf32>
        tpu.vector_store %arg8[%swap3A, %swap3A_182], %swap3A_185 {add = true, strides = array<i32>} : memref<200x64xf32, #tpu.memory_space<vmem>>, vector<1x16xf32>,
        %add3A_186 = arith.constant 16 : i32
        %add3A_187 = arith.addi %mul3A_177, %add3A_186 : i32
        %get3A_188 = arith.index_cast %add3A_187 : i32 to index
        %get3A_189 = tpu.vector_load %arg6[%get3A_188] {strides = array<i32>} : memref<12800xf32, #tpu.memory_space<vmem>>, vector<16xf32>,
        %get3A_190 = vector.shape_cast %get3A_189 : vector<16xf32> to vector<16xf32>
        %swap3A_191 = arith.index_cast %scan3A_175 : i32 to index
        %swap3A_192 = arith.constant 16 : index
        %swap3A_193 = tpu.vector_load %arg8[%swap3A_191, %swap3A_192] {strides = array<i32>} : memref<200x64xf32, #tpu.memory_space<vmem>>, vector<1x16xf32>,
        %swap3A_194 = vector.shape_cast %swap3A_193 : vector<1x16xf32> to vector<16xf32>
        %swap3A_195 = vector.shape_cast %get3A_190 : vector<16xf32> to vector<1x16xf32>
        tpu.vector_store %arg8[%swap3A_191, %swap3A_192], %swap3A_195 {add = true, strides = array<i32>} : memref<200x64xf32, #tpu.memory_space<vmem>>, vector<1x16xf32>,
        %add3A_196 = arith.constant 32 : i32
        %add3A_197 = arith.addi %mul3A_177, %add3A_196 : i32
        %get3A_198 = arith.index_cast %add3A_197 : i32 to index
        %get3A_199 = tpu.vector_load %arg6[%get3A_198] {strides = array<i32>} : memref<12800xf32, #tpu.memory_space<vmem>>, vector<16xf32>,
        %get3A_200 = vector.shape_cast %get3A_199 : vector<16xf32> to vector<16xf32>
        %swap3A_201 = arith.index_cast %scan3A_175 : i32 to index
        %swap3A_202 = arith.constant 32 : index
        %swap3A_203 = tpu.vector_load %arg8[%swap3A_201, %swap3A_202] {strides = array<i32>} : memref<200x64xf32, #tpu.memory_space<vmem>>, vector<1x16xf32>,
        %swap3A_204 = vector.shape_cast %swap3A_203 : vector<1x16xf32> to vector<16xf32>
        %swap3A_205 = vector.shape_cast %get3A_200 : vector<16xf32> to vector<1x16xf32>
        tpu.vector_store %arg8[%swap3A_201, %swap3A_202], %swap3A_205 {add = true, strides = array<i32>} : memref<200x64xf32, #tpu.memory_space<vmem>>, vector<1x16xf32>,
        %add3A_206 = arith.constant 48 : i32
        %add3A_207 = arith.addi %mul3A_177, %add3A_206 : i32
        %get3A_208 = arith.index_cast %add3A_207 : i32 to index
        %get3A_209 = tpu.vector_load %arg6[%get3A_208] {strides = array<i32>} : memref<12800xf32, #tpu.memory_space<vmem>>, vector<16xf32>,
        %get3A_210 = vector.shape_cast %get3A_209 : vector<16xf32> to vector<16xf32>
        %swap3A_211 = arith.index_cast %scan3A_175 : i32 to index
        %swap3A_212 = arith.constant 48 : index
        %swap3A_213 = tpu.vector_load %arg8[%swap3A_211, %swap3A_212] {strides = array<i32>} : memref<200x64xf32, #tpu.memory_space<vmem>>, vector<1x16xf32>,
        %swap3A_214 = vector.shape_cast %swap3A_213 : vector<1x16xf32> to vector<16xf32>
        %swap3A_215 = vector.shape_cast %get3A_210 : vector<16xf32> to vector<1x16xf32>
        tpu.vector_store %arg8[%swap3A_211, %swap3A_212], %swap3A_215 {add = true, strides = array<i32>} : memref<200x64xf32, #tpu.memory_space<vmem>>, vector<1x16xf32>,
        %scan3A_216 = arith.constant 1 : i32
        %scan3A_217 = arith.addi %scan3A_175, %scan3A_216 : i32
        %mul3A_218 = arith.constant 64 : i32
        %mul3A_219 = arith.muli %scan3A_217, %mul3A_218 : i32
        %add3A_220 = arith.constant 0 : i32
        %add3A_221 = arith.addi %mul3A_219, %add3A_220 : i32
        %get3A_222 = arith.index_cast %add3A_221 : i32 to index
        %get3A_223 = tpu.vector_load %arg6[%get3A_222] {strides = array<i32>} : memref<12800xf32, #tpu.memory_space<vmem>>, vector<16xf32>,
        %get3A_224 = vector.shape_cast %get3A_223 : vector<16xf32> to vector<16xf32>
        %swap3A_225 = arith.index_cast %scan3A_217 : i32 to index
        %swap3A_226 = arith.constant 0 : index
        %swap3A_227 = tpu.vector_load %arg8[%swap3A_225, %swap3A_226] {strides = array<i32>} : memref<200x64xf32, #tpu.memory_space<vmem>>, vector<1x16xf32>,
        %swap3A_228 = vector.shape_cast %swap3A_227 : vector<1x16xf32> to vector<16xf32>
        %swap3A_229 = vector.shape_cast %get3A_224 : vector<16xf32> to vector<1x16xf32>
        tpu.vector_store %arg8[%swap3A_225, %swap3A_226], %swap3A_229 {add = true, strides = array<i32>} : memref<200x64xf32, #tpu.memory_space<vmem>>, vector<1x16xf32>,
        %add3A_230 = arith.constant 16 : i32
        %add3A_231 = arith.addi %mul3A_219, %add3A_230 : i32
        %get3A_232 = arith.index_cast %add3A_231 : i32 to index
        %get3A_233 = tpu.vector_load %arg6[%get3A_232] {strides = array<i32>} : memref<12800xf32, #tpu.memory_space<vmem>>, vector<16xf32>,
        %get3A_234 = vector.shape_cast %get3A_233 : vector<16xf32> to vector<16xf32>
        %swap3A_235 = arith.index_cast %scan3A_217 : i32 to index
        %swap3A_236 = arith.constant 16 : index
        %swap3A_237 = tpu.vector_load %arg8[%swap3A_235, %swap3A_236] {strides = array<i32>} : memref<200x64xf32, #tpu.memory_space<vmem>>, vector<1x16xf32>,
        %swap3A_238 = vector.shape_cast %swap3A_237 : vector<1x16xf32> to vector<16xf32>
        %swap3A_239 = vector.shape_cast %get3A_234 : vector<16xf32> to vector<1x16xf32>
        tpu.vector_store %arg8[%swap3A_235, %swap3A_236], %swap3A_239 {add = true, strides = array<i32>} : memref<200x64xf32, #tpu.memory_space<vmem>>, vector<1x16xf32>,
        %add3A_240 = arith.constant 32 : i32
        %add3A_241 = arith.addi %mul3A_219, %add3A_240 : i32
        %get3A_242 = arith.index_cast %add3A_241 : i32 to index
        %get3A_243 = tpu.vector_load %arg6[%get3A_242] {strides = array<i32>} : memref<12800xf32, #tpu.memory_space<vmem>>, vector<16xf32>,
        %get3A_244 = vector.shape_cast %get3A_243 : vector<16xf32> to vector<16xf32>
        %swap3A_245 = arith.index_cast %scan3A_217 : i32 to index
        %swap3A_246 = arith.constant 32 : index
        %swap3A_247 = tpu.vector_load %arg8[%swap3A_245, %swap3A_246] {strides = array<i32>} : memref<200x64xf32, #tpu.memory_space<vmem>>, vector<1x16xf32>,
        %swap3A_248 = vector.shape_cast %swap3A_247 : vector<1x16xf32> to vector<16xf32>
        %swap3A_249 = vector.shape_cast %get3A_244 : vector<16xf32> to vector<1x16xf32>
        tpu.vector_store %arg8[%swap3A_245, %swap3A_246], %swap3A_249 {add = true, strides = array<i32>} : memref<200x64xf32, #tpu.memory_space<vmem>>, vector<1x16xf32>,
        %add3A_250 = arith.constant 48 : i32
        %add3A_251 = arith.addi %mul3A_219, %add3A_250 : i32
        %get3A_252 = arith.index_cast %add3A_251 : i32 to index
        %get3A_253 = tpu.vector_load %arg6[%get3A_252] {strides = array<i32>} : memref<12800xf32, #tpu.memory_space<vmem>>, vector<16xf32>,
        %get3A_254 = vector.shape_cast %get3A_253 : vector<16xf32> to vector<16xf32>
        %swap3A_255 = arith.index_cast %scan3A_217 : i32 to index
        %swap3A_256 = arith.constant 48 : index
        %swap3A_257 = tpu.vector_load %arg8[%swap3A_255, %swap3A_256] {strides = array<i32>} : memref<200x64xf32, #tpu.memory_space<vmem>>, vector<1x16xf32>,
        %swap3A_258 = vector.shape_cast %swap3A_257 : vector<1x16xf32> to vector<16xf32>
        %swap3A_259 = vector.shape_cast %get3A_254 : vector<16xf32> to vector<1x16xf32>
        tpu.vector_store %arg8[%swap3A_255, %swap3A_256], %swap3A_259 {add = true, strides = array<i32>} : memref<200x64xf32, #tpu.memory_space<vmem>>, vector<1x16xf32>,
        %scan3A_260 = arith.constant 2 : i32
        %scan3A_261 = arith.addi %scan3A_175, %scan3A_260 : i32
        %mul3A_262 = arith.constant 64 : i32
        %mul3A_263 = arith.muli %scan3A_261, %mul3A_262 : i32
        %add3A_264 = arith.constant 0 : i32
        %add3A_265 = arith.addi %mul3A_263, %add3A_264 : i32
        %get3A_266 = arith.index_cast %add3A_265 : i32 to index
        %get3A_267 = tpu.vector_load %arg6[%get3A_266] {strides = array<i32>} : memref<12800xf32, #tpu.memory_space<vmem>>, vector<16xf32>,
        %get3A_268 = vector.shape_cast %get3A_267 : vector<16xf32> to vector<16xf32>
        %swap3A_269 = arith.index_cast %scan3A_261 : i32 to index
        %swap3A_270 = arith.constant 0 : index
        %swap3A_271 = tpu.vector_load %arg8[%swap3A_269, %swap3A_270] {strides = array<i32>} : memref<200x64xf32, #tpu.memory_space<vmem>>, vector<1x16xf32>,
        %swap3A_272 = vector.shape_cast %swap3A_271 : vector<1x16xf32> to vector<16xf32>
        %swap3A_273 = vector.shape_cast %get3A_268 : vector<16xf32> to vector<1x16xf32>
        tpu.vector_store %arg8[%swap3A_269, %swap3A_270], %swap3A_273 {add = true, strides = array<i32>} : memref<200x64xf32, #tpu.memory_space<vmem>>, vector<1x16xf32>,
        %add3A_274 = arith.constant 16 : i32
        %add3A_275 = arith.addi %mul3A_263, %add3A_274 : i32
        %get3A_276 = arith.index_cast %add3A_275 : i32 to index
        %get3A_277 = tpu.vector_load %arg6[%get3A_276] {strides = array<i32>} : memref<12800xf32, #tpu.memory_space<vmem>>, vector<16xf32>,
        %get3A_278 = vector.shape_cast %get3A_277 : vector<16xf32> to vector<16xf32>
        %swap3A_279 = arith.index_cast %scan3A_261 : i32 to index
        %swap3A_280 = arith.constant 16 : index
        %swap3A_281 = tpu.vector_load %arg8[%swap3A_279, %swap3A_280] {strides = array<i32>} : memref<200x64xf32, #tpu.memory_space<vmem>>, vector<1x16xf32>,
        %swap3A_282 = vector.shape_cast %swap3A_281 : vector<1x16xf32> to vector<16xf32>
        %swap3A_283 = vector.shape_cast %get3A_278 : vector<16xf32> to vector<1x16xf32>
        tpu.vector_store %arg8[%swap3A_279, %swap3A_280], %swap3A_283 {add = true, strides = array<i32>} : memref<200x64xf32, #tpu.memory_space<vmem>>, vector<1x16xf32>,
        %add3A_284 = arith.constant 32 : i32
        %add3A_285 = arith.addi %mul3A_263, %add3A_284 : i32
        %get3A_286 = arith.index_cast %add3A_285 : i32 to index
        %get3A_287 = tpu.vector_load %arg6[%get3A_286] {strides = array<i32>} : memref<12800xf32, #tpu.memory_space<vmem>>, vector<16xf32>,
        %get3A_288 = vector.shape_cast %get3A_287 : vector<16xf32> to vector<16xf32>
        %swap3A_289 = arith.index_cast %scan3A_261 : i32 to index
        %swap3A_290 = arith.constant 32 : index
        %swap3A_291 = tpu.vector_load %arg8[%swap3A_289, %swap3A_290] {strides = array<i32>} : memref<200x64xf32, #tpu.memory_space<vmem>>, vector<1x16xf32>,
        %swap3A_292 = vector.shape_cast %swap3A_291 : vector<1x16xf32> to vector<16xf32>
        %swap3A_293 = vector.shape_cast %get3A_288 : vector<16xf32> to vector<1x16xf32>
        tpu.vector_store %arg8[%swap3A_289, %swap3A_290], %swap3A_293 {add = true, strides = array<i32>} : memref<200x64xf32, #tpu.memory_space<vmem>>, vector<1x16xf32>,
        %add3A_294 = arith.constant 48 : i32
        %add3A_295 = arith.addi %mul3A_263, %add3A_294 : i32
        %get3A_296 = arith.index_cast %add3A_295 : i32 to index
        %get3A_297 = tpu.vector_load %arg6[%get3A_296] {strides = array<i32>} : memref<12800xf32, #tpu.memory_space<vmem>>, vector<16xf32>,
        %get3A_298 = vector.shape_cast %get3A_297 : vector<16xf32> to vector<16xf32>
        %swap3A_299 = arith.index_cast %scan3A_261 : i32 to index
        %swap3A_300 = arith.constant 48 : index
        %swap3A_301 = tpu.vector_load %arg8[%swap3A_299, %swap3A_300] {strides = array<i32>} : memref<200x64xf32, #tpu.memory_space<vmem>>, vector<1x16xf32>,
        %swap3A_302 = vector.shape_cast %swap3A_301 : vector<1x16xf32> to vector<16xf32>
        %swap3A_303 = vector.shape_cast %get3A_298 : vector<16xf32> to vector<1x16xf32>
        tpu.vector_store %arg8[%swap3A_299, %swap3A_300], %swap3A_303 {add = true, strides = array<i32>} : memref<200x64xf32, #tpu.memory_space<vmem>>, vector<1x16xf32>,
        %scan3A_304 = arith.constant 3 : i32
        %scan3A_305 = arith.addi %scan3A_175, %scan3A_304 : i32
        %mul3A_306 = arith.constant 64 : i32
        %mul3A_307 = arith.muli %scan3A_305, %mul3A_306 : i32
        %add3A_308 = arith.constant 0 : i32
        %add3A_309 = arith.addi %mul3A_307, %add3A_308 : i32
        %get3A_310 = arith.index_cast %add3A_309 : i32 to index
        %get3A_311 = tpu.vector_load %arg6[%get3A_310] {strides = array<i32>} : memref<12800xf32, #tpu.memory_space<vmem>>, vector<16xf32>,
        %get3A_312 = vector.shape_cast %get3A_311 : vector<16xf32> to vector<16xf32>
        %swap3A_313 = arith.index_cast %scan3A_305 : i32 to index
        %swap3A_314 = arith.constant 0 : index
        %swap3A_315 = tpu.vector_load %arg8[%swap3A_313, %swap3A_314] {strides = array<i32>} : memref<200x64xf32, #tpu.memory_space<vmem>>, vector<1x16xf32>,
        %swap3A_316 = vector.shape_cast %swap3A_315 : vector<1x16xf32> to vector<16xf32>
        %swap3A_317 = vector.shape_cast %get3A_312 : vector<16xf32> to vector<1x16xf32>
        tpu.vector_store %arg8[%swap3A_313, %swap3A_314], %swap3A_317 {add = true, strides = array<i32>} : memref<200x64xf32, #tpu.memory_space<vmem>>, vector<1x16xf32>,
        %add3A_318 = arith.constant 16 : i32
        %add3A_319 = arith.addi %mul3A_307, %add3A_318 : i32
        %get3A_320 = arith.index_cast %add3A_319 : i32 to index
        %get3A_321 = tpu.vector_load %arg6[%get3A_320] {strides = array<i32>} : memref<12800xf32, #tpu.memory_space<vmem>>, vector<16xf32>,
        %get3A_322 = vector.shape_cast %get3A_321 : vector<16xf32> to vector<16xf32>
        %swap3A_323 = arith.index_cast %scan3A_305 : i32 to index
        %swap3A_324 = arith.constant 16 : index
        %swap3A_325 = tpu.vector_load %arg8[%swap3A_323, %swap3A_324] {strides = array<i32>} : memref<200x64xf32, #tpu.memory_space<vmem>>, vector<1x16xf32>,
        %swap3A_326 = vector.shape_cast %swap3A_325 : vector<1x16xf32> to vector<16xf32>
        %swap3A_327 = vector.shape_cast %get3A_322 : vector<16xf32> to vector<1x16xf32>
        tpu.vector_store %arg8[%swap3A_323, %swap3A_324], %swap3A_327 {add = true, strides = array<i32>} : memref<200x64xf32, #tpu.memory_space<vmem>>, vector<1x16xf32>,
        %add3A_328 = arith.constant 32 : i32
        %add3A_329 = arith.addi %mul3A_307, %add3A_328 : i32
        %get3A_330 = arith.index_cast %add3A_329 : i32 to index
        %get3A_331 = tpu.vector_load %arg6[%get3A_330] {strides = array<i32>} : memref<12800xf32, #tpu.memory_space<vmem>>, vector<16xf32>,
        %get3A_332 = vector.shape_cast %get3A_331 : vector<16xf32> to vector<16xf32>
        %swap3A_333 = arith.index_cast %scan3A_305 : i32 to index
        %swap3A_334 = arith.constant 32 : index
        %swap3A_335 = tpu.vector_load %arg8[%swap3A_333, %swap3A_334] {strides = array<i32>} : memref<200x64xf32, #tpu.memory_space<vmem>>, vector<1x16xf32>,
        %swap3A_336 = vector.shape_cast %swap3A_335 : vector<1x16xf32> to vector<16xf32>
        %swap3A_337 = vector.shape_cast %get3A_332 : vector<16xf32> to vector<1x16xf32>
        tpu.vector_store %arg8[%swap3A_333, %swap3A_334], %swap3A_337 {add = true, strides = array<i32>} : memref<200x64xf32, #tpu.memory_space<vmem>>, vector<1x16xf32>,
        %add3A_338 = arith.constant 48 : i32
        %add3A_339 = arith.addi %mul3A_307, %add3A_338 : i32
        %get3A_340 = arith.index_cast %add3A_339 : i32 to index
        %get3A_341 = tpu.vector_load %arg6[%get3A_340] {strides = array<i32>} : memref<12800xf32, #tpu.memory_space<vmem>>, vector<16xf32>,
        %get3A_342 = vector.shape_cast %get3A_341 : vector<16xf32> to vector<16xf32>
        %swap3A_343 = arith.index_cast %scan3A_305 : i32 to index
        %swap3A_344 = arith.constant 48 : index
        %swap3A_345 = tpu.vector_load %arg8[%swap3A_343, %swap3A_344] {strides = array<i32>} : memref<200x64xf32, #tpu.memory_space<vmem>>, vector<1x16xf32>,
        %swap3A_346 = vector.shape_cast %swap3A_345 : vector<1x16xf32> to vector<16xf32>
        %swap3A_347 = vector.shape_cast %get3A_342 : vector<16xf32> to vector<1x16xf32>
        tpu.vector_store %arg8[%swap3A_343, %swap3A_344], %swap3A_347 {add = true, strides = array<i32>} : memref<200x64xf32, #tpu.memory_space<vmem>>, vector<1x16xf32>,
      }
      %scan3A_65 = arith.constant 200 : i32
      %add3A_66 = arith.addi %mul3A_2, %add3A_46 : i32
      %mul3A_67 = arith.constant 200 : i32
      %mul3A_68 = arith.muli %add3A_66, %mul3A_67 : i32
      %dma_start3A_69 = arith.constant 0 : i32
      %dma_start3A_70 = tpu.memref_slice %arg5[%mul3A_68, %dma_start3A_69] : memref<819200x64xf32, #tpu.memory_space<hbm>> -> memref<200x64xf32, #tpu.memory_space<hbm>>
      %dma_start3A_71 = arith.constant 0 : i32
      %dma_start3A_72 = tpu.memref_slice %arg5[%mul3A_68, %dma_start3A_71] : memref<819200x64xf32, #tpu.memory_space<hbm>> -> memref<200x64xf32, #tpu.memory_space<hbm>>
      tpu.enqueue_dma source(%arg8 : memref<200x64xf32, #tpu.memory_space<vmem>>) target(%dma_start3A_72 : memref<200x64xf32, #tpu.memory_space<hbm>>) target_semaphore(%arg17 : memref<!tpu.dma_semaphore, #tpu.memory_space<semaphore_mem>>)
      %mul3A_73 = arith.constant 4 : i32
      %mul3A_74 = arith.muli %scan3A_42, %mul3A_73 : i32
      %add3A_75 = arith.constant 1 : i32
      %add3A_76 = arith.addi %mul3A_74, %add3A_75 : i32
      %ge3A_77 = arith.constant 2 : i32
      %ge3A_78 = arith.cmpi sge, %add3A_76, %ge3A_77 : i32
      %convert_element_type3A_79 = arith.extui %ge3A_78 : i1 to i32
      %cond3A_80 = arith.constant 0 : i32
      %cond3A_81 = arith.cmpi ne, %convert_element_type3A_79, %cond3A_80 : i32
      scf.if %cond3A_81 {
        %dma_wait3A_175 = arith.constant 0 : i32
        %dma_wait3A_176 = arith.constant 0 : i32
        %dma_wait3A_177 = tpu.memref_slice %arg5[%dma_wait3A_175, %dma_wait3A_176] : memref<819200x64xf32, #tpu.memory_space<hbm>> -> memref<200x64xf32, #tpu.memory_space<hbm>>
        %dma_wait3A_178 = arith.constant 0 : i32
        %dma_wait3A_179 = arith.constant 0 : i32
        %dma_wait3A_180 = tpu.memref_slice %arg5[%dma_wait3A_178, %dma_wait3A_179] : memref<819200x64xf32, #tpu.memory_space<hbm>> -> memref<200x64xf32, #tpu.memory_space<hbm>>
        tpu.wait_dma2 semaphore(%arg20 : memref<!tpu.dma_semaphore, #tpu.memory_space<semaphore_mem>>) src(%arg11 : memref<200x64xf32, #tpu.memory_space<vmem>>) dst(%dma_wait3A_180 : memref<200x64xf32, #tpu.memory_space<hbm>>)
      } else {
      }
      %add3A_82 = arith.constant 2 : i32
      %add3A_83 = arith.addi %add3A_76, %add3A_82 : i32
      %lt3A_84 = arith.constant 128 : i32
      %lt3A_85 = arith.cmpi slt, %add3A_83, %lt3A_84 : i32
      %convert_element_type3A_86 = arith.extui %lt3A_85 : i1 to i32
      %cond3A_87 = arith.constant 0 : i32
      %cond3A_88 = arith.cmpi ne, %convert_element_type3A_86, %cond3A_87 : i32
      scf.if %cond3A_88 {
        %add3A_175 = arith.constant 2 : i32
        %add3A_176 = arith.addi %add3A_76, %add3A_175 : i32
        %mul3A_177 = arith.constant 200 : i32
        %mul3A_178 = arith.muli %add3A_176, %mul3A_177 : i32
        %dma_start3A_179 = tpu.memref_slice %arg7[%mul3A_178] : memref<25600xi32, #tpu.memory_space<vmem>> -> memref<200xi32, #tpu.memory_space<vmem>>
        %dma_start3A_180 = arith.constant 0 : i32
        %dma_start3A_181 = arith.constant 0 : i32
        %dma_start3A_182 = tpu.memref_slice %arg2[%dma_start3A_180, %dma_start3A_181] : memref<38400x64xf32, #tpu.memory_space<hbm>> -> memref<38400x64xf32, #tpu.memory_space<hbm>>
        tpu.enqueue_indirect_dma source(%dma_start3A_182 : memref<38400x64xf32, #tpu.memory_space<hbm>>) target(%arg11 : memref<200x64xf32, #tpu.memory_space<vmem>>) offsets(%dma_start3A_179 : memref<200xi32, #tpu.memory_space<vmem>>) semaphore(%arg16 : memref<!tpu.dma_semaphore, #tpu.memory_space<semaphore_mem>>)
      } else {
      }
      %dma_wait3A_89 = arith.constant 0 : i32
      %dma_wait3A_90 = tpu.memref_slice %arg7[%dma_wait3A_89] : memref<25600xi32, #tpu.memory_space<vmem>> -> memref<200xi32, #tpu.memory_space<vmem>>
      %dma_wait3A_91 = arith.constant 0 : i32
      %dma_wait3A_92 = arith.constant 0 : i32
      %dma_wait3A_93 = tpu.memref_slice %arg2[%dma_wait3A_91, %dma_wait3A_92] : memref<38400x64xf32, #tpu.memory_space<hbm>> -> memref<38400x64xf32, #tpu.memory_space<hbm>>
      tpu.wait_indirect_dma semaphore(%arg14 : memref<!tpu.dma_semaphore, #tpu.memory_space<semaphore_mem>>) src(%dma_wait3A_93 : memref<38400x64xf32, #tpu.memory_space<hbm>>) dst(%arg9 : memref<200x64xf32, #tpu.memory_space<vmem>>)
      %scan3A_94 = arith.constant 0 : i32
      %scan3A_95 = arith.constant 0 : i32
      %scan3A_96 = arith.constant 200 : i32
      %scan3A_97 = arith.addi %scan3A_95, %scan3A_96 : i32
      %scan3A_98 = arith.constant 4 : i32
      scf.for %scan3A_175 = %scan3A_95 to %scan3A_97 step %scan3A_98  : i32 {
        %mul3A_176 = arith.constant 64 : i32
        %mul3A_177 = arith.muli %scan3A_175, %mul3A_176 : i32
        %add3A_178 = arith.constant 0 : i32
        %add3A_179 = arith.addi %mul3A_177, %add3A_178 : i32
        %get3A = arith.index_cast %add3A_179 : i32 to index
        %get3A_180 = tpu.vector_load %arg6[%get3A] {strides = array<i32>} : memref<12800xf32, #tpu.memory_space<vmem>>, vector<16xf32>,
        %get3A_181 = vector.shape_cast %get3A_180 : vector<16xf32> to vector<16xf32>
        %swap3A = arith.index_cast %scan3A_175 : i32 to index
        %swap3A_182 = arith.constant 0 : index
        %swap3A_183 = tpu.vector_load %arg9[%swap3A, %swap3A_182] {strides = array<i32>} : memref<200x64xf32, #tpu.memory_space<vmem>>, vector<1x16xf32>,
        %swap3A_184 = vector.shape_cast %swap3A_183 : vector<1x16xf32> to vector<16xf32>
        %swap3A_185 = vector.shape_cast %get3A_181 : vector<16xf32> to vector<1x16xf32>
        tpu.vector_store %arg9[%swap3A, %swap3A_182], %swap3A_185 {add = true, strides = array<i32>} : memref<200x64xf32, #tpu.memory_space<vmem>>, vector<1x16xf32>,
        %add3A_186 = arith.constant 16 : i32
        %add3A_187 = arith.addi %mul3A_177, %add3A_186 : i32
        %get3A_188 = arith.index_cast %add3A_187 : i32 to index
        %get3A_189 = tpu.vector_load %arg6[%get3A_188] {strides = array<i32>} : memref<12800xf32, #tpu.memory_space<vmem>>, vector<16xf32>,
        %get3A_190 = vector.shape_cast %get3A_189 : vector<16xf32> to vector<16xf32>
        %swap3A_191 = arith.index_cast %scan3A_175 : i32 to index
        %swap3A_192 = arith.constant 16 : index
        %swap3A_193 = tpu.vector_load %arg9[%swap3A_191, %swap3A_192] {strides = array<i32>} : memref<200x64xf32, #tpu.memory_space<vmem>>, vector<1x16xf32>,
        %swap3A_194 = vector.shape_cast %swap3A_193 : vector<1x16xf32> to vector<16xf32>
        %swap3A_195 = vector.shape_cast %get3A_190 : vector<16xf32> to vector<1x16xf32>
        tpu.vector_store %arg9[%swap3A_191, %swap3A_192], %swap3A_195 {add = true, strides = array<i32>} : memref<200x64xf32, #tpu.memory_space<vmem>>, vector<1x16xf32>,
        %add3A_196 = arith.constant 32 : i32
        %add3A_197 = arith.addi %mul3A_177, %add3A_196 : i32
        %get3A_198 = arith.index_cast %add3A_197 : i32 to index
        %get3A_199 = tpu.vector_load %arg6[%get3A_198] {strides = array<i32>} : memref<12800xf32, #tpu.memory_space<vmem>>, vector<16xf32>,
        %get3A_200 = vector.shape_cast %get3A_199 : vector<16xf32> to vector<16xf32>
        %swap3A_201 = arith.index_cast %scan3A_175 : i32 to index
        %swap3A_202 = arith.constant 32 : index
        %swap3A_203 = tpu.vector_load %arg9[%swap3A_201, %swap3A_202] {strides = array<i32>} : memref<200x64xf32, #tpu.memory_space<vmem>>, vector<1x16xf32>,
        %swap3A_204 = vector.shape_cast %swap3A_203 : vector<1x16xf32> to vector<16xf32>
        %swap3A_205 = vector.shape_cast %get3A_200 : vector<16xf32> to vector<1x16xf32>
        tpu.vector_store %arg9[%swap3A_201, %swap3A_202], %swap3A_205 {add = true, strides = array<i32>} : memref<200x64xf32, #tpu.memory_space<vmem>>, vector<1x16xf32>,
        %add3A_206 = arith.constant 48 : i32
        %add3A_207 = arith.addi %mul3A_177, %add3A_206 : i32
        %get3A_208 = arith.index_cast %add3A_207 : i32 to index
        %get3A_209 = tpu.vector_load %arg6[%get3A_208] {strides = array<i32>} : memref<12800xf32, #tpu.memory_space<vmem>>, vector<16xf32>,
        %get3A_210 = vector.shape_cast %get3A_209 : vector<16xf32> to vector<16xf32>
        %swap3A_211 = arith.index_cast %scan3A_175 : i32 to index
        %swap3A_212 = arith.constant 48 : index
        %swap3A_213 = tpu.vector_load %arg9[%swap3A_211, %swap3A_212] {strides = array<i32>} : memref<200x64xf32, #tpu.memory_space<vmem>>, vector<1x16xf32>,
        %swap3A_214 = vector.shape_cast %swap3A_213 : vector<1x16xf32> to vector<16xf32>
        %swap3A_215 = vector.shape_cast %get3A_210 : vector<16xf32> to vector<1x16xf32>
        tpu.vector_store %arg9[%swap3A_211, %swap3A_212], %swap3A_215 {add = true, strides = array<i32>} : memref<200x64xf32, #tpu.memory_space<vmem>>, vector<1x16xf32>,
        %scan3A_216 = arith.constant 1 : i32
        %scan3A_217 = arith.addi %scan3A_175, %scan3A_216 : i32
        %mul3A_218 = arith.constant 64 : i32
        %mul3A_219 = arith.muli %scan3A_217, %mul3A_218 : i32
        %add3A_220 = arith.constant 0 : i32
        %add3A_221 = arith.addi %mul3A_219, %add3A_220 : i32
        %get3A_222 = arith.index_cast %add3A_221 : i32 to index
        %get3A_223 = tpu.vector_load %arg6[%get3A_222] {strides = array<i32>} : memref<12800xf32, #tpu.memory_space<vmem>>, vector<16xf32>,
        %get3A_224 = vector.shape_cast %get3A_223 : vector<16xf32> to vector<16xf32>
        %swap3A_225 = arith.index_cast %scan3A_217 : i32 to index
        %swap3A_226 = arith.constant 0 : index
        %swap3A_227 = tpu.vector_load %arg9[%swap3A_225, %swap3A_226] {strides = array<i32>} : memref<200x64xf32, #tpu.memory_space<vmem>>, vector<1x16xf32>,
        %swap3A_228 = vector.shape_cast %swap3A_227 : vector<1x16xf32> to vector<16xf32>
        %swap3A_229 = vector.shape_cast %get3A_224 : vector<16xf32> to vector<1x16xf32>
        tpu.vector_store %arg9[%swap3A_225, %swap3A_226], %swap3A_229 {add = true, strides = array<i32>} : memref<200x64xf32, #tpu.memory_space<vmem>>, vector<1x16xf32>,
        %add3A_230 = arith.constant 16 : i32
        %add3A_231 = arith.addi %mul3A_219, %add3A_230 : i32
        %get3A_232 = arith.index_cast %add3A_231 : i32 to index
        %get3A_233 = tpu.vector_load %arg6[%get3A_232] {strides = array<i32>} : memref<12800xf32, #tpu.memory_space<vmem>>, vector<16xf32>,
        %get3A_234 = vector.shape_cast %get3A_233 : vector<16xf32> to vector<16xf32>
        %swap3A_235 = arith.index_cast %scan3A_217 : i32 to index
        %swap3A_236 = arith.constant 16 : index
        %swap3A_237 = tpu.vector_load %arg9[%swap3A_235, %swap3A_236] {strides = array<i32>} : memref<200x64xf32, #tpu.memory_space<vmem>>, vector<1x16xf32>,
        %swap3A_238 = vector.shape_cast %swap3A_237 : vector<1x16xf32> to vector<16xf32>
        %swap3A_239 = vector.shape_cast %get3A_234 : vector<16xf32> to vector<1x16xf32>
        tpu.vector_store %arg9[%swap3A_235, %swap3A_236], %swap3A_239 {add = true, strides = array<i32>} : memref<200x64xf32, #tpu.memory_space<vmem>>, vector<1x16xf32>,
        %add3A_240 = arith.constant 32 : i32
        %add3A_241 = arith.addi %mul3A_219, %add3A_240 : i32
        %get3A_242 = arith.index_cast %add3A_241 : i32 to index
        %get3A_243 = tpu.vector_load %arg6[%get3A_242] {strides = array<i32>} : memref<12800xf32, #tpu.memory_space<vmem>>, vector<16xf32>,
        %get3A_244 = vector.shape_cast %get3A_243 : vector<16xf32> to vector<16xf32>
        %swap3A_245 = arith.index_cast %scan3A_217 : i32 to index
        %swap3A_246 = arith.constant 32 : index
        %swap3A_247 = tpu.vector_load %arg9[%swap3A_245, %swap3A_246] {strides = array<i32>} : memref<200x64xf32, #tpu.memory_space<vmem>>, vector<1x16xf32>,
        %swap3A_248 = vector.shape_cast %swap3A_247 : vector<1x16xf32> to vector<16xf32>
        %swap3A_249 = vector.shape_cast %get3A_244 : vector<16xf32> to vector<1x16xf32>
        tpu.vector_store %arg9[%swap3A_245, %swap3A_246], %swap3A_249 {add = true, strides = array<i32>} : memref<200x64xf32, #tpu.memory_space<vmem>>, vector<1x16xf32>,
        %add3A_250 = arith.constant 48 : i32
        %add3A_251 = arith.addi %mul3A_219, %add3A_250 : i32
        %get3A_252 = arith.index_cast %add3A_251 : i32 to index
        %get3A_253 = tpu.vector_load %arg6[%get3A_252] {strides = array<i32>} : memref<12800xf32, #tpu.memory_space<vmem>>, vector<16xf32>,
        %get3A_254 = vector.shape_cast %get3A_253 : vector<16xf32> to vector<16xf32>
        %swap3A_255 = arith.index_cast %scan3A_217 : i32 to index
        %swap3A_256 = arith.constant 48 : index
        %swap3A_257 = tpu.vector_load %arg9[%swap3A_255, %swap3A_256] {strides = array<i32>} : memref<200x64xf32, #tpu.memory_space<vmem>>, vector<1x16xf32>,
        %swap3A_258 = vector.shape_cast %swap3A_257 : vector<1x16xf32> to vector<16xf32>
        %swap3A_259 = vector.shape_cast %get3A_254 : vector<16xf32> to vector<1x16xf32>
        tpu.vector_store %arg9[%swap3A_255, %swap3A_256], %swap3A_259 {add = true, strides = array<i32>} : memref<200x64xf32, #tpu.memory_space<vmem>>, vector<1x16xf32>,
        %scan3A_260 = arith.constant 2 : i32
        %scan3A_261 = arith.addi %scan3A_175, %scan3A_260 : i32
        %mul3A_262 = arith.constant 64 : i32
        %mul3A_263 = arith.muli %scan3A_261, %mul3A_262 : i32
        %add3A_264 = arith.constant 0 : i32
        %add3A_265 = arith.addi %mul3A_263, %add3A_264 : i32
        %get3A_266 = arith.index_cast %add3A_265 : i32 to index
        %get3A_267 = tpu.vector_load %arg6[%get3A_266] {strides = array<i32>} : memref<12800xf32, #tpu.memory_space<vmem>>, vector<16xf32>,
        %get3A_268 = vector.shape_cast %get3A_267 : vector<16xf32> to vector<16xf32>
        %swap3A_269 = arith.index_cast %scan3A_261 : i32 to index
        %swap3A_270 = arith.constant 0 : index
        %swap3A_271 = tpu.vector_load %arg9[%swap3A_269, %swap3A_270] {strides = array<i32>} : memref<200x64xf32, #tpu.memory_space<vmem>>, vector<1x16xf32>,
        %swap3A_272 = vector.shape_cast %swap3A_271 : vector<1x16xf32> to vector<16xf32>
        %swap3A_273 = vector.shape_cast %get3A_268 : vector<16xf32> to vector<1x16xf32>
        tpu.vector_store %arg9[%swap3A_269, %swap3A_270], %swap3A_273 {add = true, strides = array<i32>} : memref<200x64xf32, #tpu.memory_space<vmem>>, vector<1x16xf32>,
        %add3A_274 = arith.constant 16 : i32
        %add3A_275 = arith.addi %mul3A_263, %add3A_274 : i32
        %get3A_276 = arith.index_cast %add3A_275 : i32 to index
        %get3A_277 = tpu.vector_load %arg6[%get3A_276] {strides = array<i32>} : memref<12800xf32, #tpu.memory_space<vmem>>, vector<16xf32>,
        %get3A_278 = vector.shape_cast %get3A_277 : vector<16xf32> to vector<16xf32>
        %swap3A_279 = arith.index_cast %scan3A_261 : i32 to index
        %swap3A_280 = arith.constant 16 : index
        %swap3A_281 = tpu.vector_load %arg9[%swap3A_279, %swap3A_280] {strides = array<i32>} : memref<200x64xf32, #tpu.memory_space<vmem>>, vector<1x16xf32>,
        %swap3A_282 = vector.shape_cast %swap3A_281 : vector<1x16xf32> to vector<16xf32>
        %swap3A_283 = vector.shape_cast %get3A_278 : vector<16xf32> to vector<1x16xf32>
        tpu.vector_store %arg9[%swap3A_279, %swap3A_280], %swap3A_283 {add = true, strides = array<i32>} : memref<200x64xf32, #tpu.memory_space<vmem>>, vector<1x16xf32>,
        %add3A_284 = arith.constant 32 : i32
        %add3A_285 = arith.addi %mul3A_263, %add3A_284 : i32
        %get3A_286 = arith.index_cast %add3A_285 : i32 to index
        %get3A_287 = tpu.vector_load %arg6[%get3A_286] {strides = array<i32>} : memref<12800xf32, #tpu.memory_space<vmem>>, vector<16xf32>,
        %get3A_288 = vector.shape_cast %get3A_287 : vector<16xf32> to vector<16xf32>
        %swap3A_289 = arith.index_cast %scan3A_261 : i32 to index
        %swap3A_290 = arith.constant 32 : index
        %swap3A_291 = tpu.vector_load %arg9[%swap3A_289, %swap3A_290] {strides = array<i32>} : memref<200x64xf32, #tpu.memory_space<vmem>>, vector<1x16xf32>,
        %swap3A_292 = vector.shape_cast %swap3A_291 : vector<1x16xf32> to vector<16xf32>
        %swap3A_293 = vector.shape_cast %get3A_288 : vector<16xf32> to vector<1x16xf32>
        tpu.vector_store %arg9[%swap3A_289, %swap3A_290], %swap3A_293 {add = true, strides = array<i32>} : memref<200x64xf32, #tpu.memory_space<vmem>>, vector<1x16xf32>,
        %add3A_294 = arith.constant 48 : i32
        %add3A_295 = arith.addi %mul3A_263, %add3A_294 : i32
        %get3A_296 = arith.index_cast %add3A_295 : i32 to index
        %get3A_297 = tpu.vector_load %arg6[%get3A_296] {strides = array<i32>} : memref<12800xf32, #tpu.memory_space<vmem>>, vector<16xf32>,
        %get3A_298 = vector.shape_cast %get3A_297 : vector<16xf32> to vector<16xf32>
        %swap3A_299 = arith.index_cast %scan3A_261 : i32 to index
        %swap3A_300 = arith.constant 48 : index
        %swap3A_301 = tpu.vector_load %arg9[%swap3A_299, %swap3A_300] {strides = array<i32>} : memref<200x64xf32, #tpu.memory_space<vmem>>, vector<1x16xf32>,
        %swap3A_302 = vector.shape_cast %swap3A_301 : vector<1x16xf32> to vector<16xf32>
        %swap3A_303 = vector.shape_cast %get3A_298 : vector<16xf32> to vector<1x16xf32>
        tpu.vector_store %arg9[%swap3A_299, %swap3A_300], %swap3A_303 {add = true, strides = array<i32>} : memref<200x64xf32, #tpu.memory_space<vmem>>, vector<1x16xf32>,
        %scan3A_304 = arith.constant 3 : i32
        %scan3A_305 = arith.addi %scan3A_175, %scan3A_304 : i32
        %mul3A_306 = arith.constant 64 : i32
        %mul3A_307 = arith.muli %scan3A_305, %mul3A_306 : i32
        %add3A_308 = arith.constant 0 : i32
        %add3A_309 = arith.addi %mul3A_307, %add3A_308 : i32
        %get3A_310 = arith.index_cast %add3A_309 : i32 to index
        %get3A_311 = tpu.vector_load %arg6[%get3A_310] {strides = array<i32>} : memref<12800xf32, #tpu.memory_space<vmem>>, vector<16xf32>,
        %get3A_312 = vector.shape_cast %get3A_311 : vector<16xf32> to vector<16xf32>
        %swap3A_313 = arith.index_cast %scan3A_305 : i32 to index
        %swap3A_314 = arith.constant 0 : index
        %swap3A_315 = tpu.vector_load %arg9[%swap3A_313, %swap3A_314] {strides = array<i32>} : memref<200x64xf32, #tpu.memory_space<vmem>>, vector<1x16xf32>,
        %swap3A_316 = vector.shape_cast %swap3A_315 : vector<1x16xf32> to vector<16xf32>
        %swap3A_317 = vector.shape_cast %get3A_312 : vector<16xf32> to vector<1x16xf32>
        tpu.vector_store %arg9[%swap3A_313, %swap3A_314], %swap3A_317 {add = true, strides = array<i32>} : memref<200x64xf32, #tpu.memory_space<vmem>>, vector<1x16xf32>,
        %add3A_318 = arith.constant 16 : i32
        %add3A_319 = arith.addi %mul3A_307, %add3A_318 : i32
        %get3A_320 = arith.index_cast %add3A_319 : i32 to index
        %get3A_321 = tpu.vector_load %arg6[%get3A_320] {strides = array<i32>} : memref<12800xf32, #tpu.memory_space<vmem>>, vector<16xf32>,
        %get3A_322 = vector.shape_cast %get3A_321 : vector<16xf32> to vector<16xf32>
        %swap3A_323 = arith.index_cast %scan3A_305 : i32 to index
        %swap3A_324 = arith.constant 16 : index
        %swap3A_325 = tpu.vector_load %arg9[%swap3A_323, %swap3A_324] {strides = array<i32>} : memref<200x64xf32, #tpu.memory_space<vmem>>, vector<1x16xf32>,
        %swap3A_326 = vector.shape_cast %swap3A_325 : vector<1x16xf32> to vector<16xf32>
        %swap3A_327 = vector.shape_cast %get3A_322 : vector<16xf32> to vector<1x16xf32>
        tpu.vector_store %arg9[%swap3A_323, %swap3A_324], %swap3A_327 {add = true, strides = array<i32>} : memref<200x64xf32, #tpu.memory_space<vmem>>, vector<1x16xf32>,
        %add3A_328 = arith.constant 32 : i32
        %add3A_329 = arith.addi %mul3A_307, %add3A_328 : i32
        %get3A_330 = arith.index_cast %add3A_329 : i32 to index
        %get3A_331 = tpu.vector_load %arg6[%get3A_330] {strides = array<i32>} : memref<12800xf32, #tpu.memory_space<vmem>>, vector<16xf32>,
        %get3A_332 = vector.shape_cast %get3A_331 : vector<16xf32> to vector<16xf32>
        %swap3A_333 = arith.index_cast %scan3A_305 : i32 to index
        %swap3A_334 = arith.constant 32 : index
        %swap3A_335 = tpu.vector_load %arg9[%swap3A_333, %swap3A_334] {strides = array<i32>} : memref<200x64xf32, #tpu.memory_space<vmem>>, vector<1x16xf32>,
        %swap3A_336 = vector.shape_cast %swap3A_335 : vector<1x16xf32> to vector<16xf32>
        %swap3A_337 = vector.shape_cast %get3A_332 : vector<16xf32> to vector<1x16xf32>
        tpu.vector_store %arg9[%swap3A_333, %swap3A_334], %swap3A_337 {add = true, strides = array<i32>} : memref<200x64xf32, #tpu.memory_space<vmem>>, vector<1x16xf32>,
        %add3A_338 = arith.constant 48 : i32
        %add3A_339 = arith.addi %mul3A_307, %add3A_338 : i32
        %get3A_340 = arith.index_cast %add3A_339 : i32 to index
        %get3A_341 = tpu.vector_load %arg6[%get3A_340] {strides = array<i32>} : memref<12800xf32, #tpu.memory_space<vmem>>, vector<16xf32>,
        %get3A_342 = vector.shape_cast %get3A_341 : vector<16xf32> to vector<16xf32>
        %swap3A_343 = arith.index_cast %scan3A_305 : i32 to index
        %swap3A_344 = arith.constant 48 : index
        %swap3A_345 = tpu.vector_load %arg9[%swap3A_343, %swap3A_344] {strides = array<i32>} : memref<200x64xf32, #tpu.memory_space<vmem>>, vector<1x16xf32>,
        %swap3A_346 = vector.shape_cast %swap3A_345 : vector<1x16xf32> to vector<16xf32>
        %swap3A_347 = vector.shape_cast %get3A_342 : vector<16xf32> to vector<1x16xf32>
        tpu.vector_store %arg9[%swap3A_343, %swap3A_344], %swap3A_347 {add = true, strides = array<i32>} : memref<200x64xf32, #tpu.memory_space<vmem>>, vector<1x16xf32>,
      }
      %scan3A_99 = arith.constant 200 : i32
      %add3A_100 = arith.addi %mul3A_2, %add3A_76 : i32
      %mul3A_101 = arith.constant 200 : i32
      %mul3A_102 = arith.muli %add3A_100, %mul3A_101 : i32
      %dma_start3A_103 = arith.constant 0 : i32
      %dma_start3A_104 = tpu.memref_slice %arg5[%mul3A_102, %dma_start3A_103] : memref<819200x64xf32, #tpu.memory_space<hbm>> -> memref<200x64xf32, #tpu.memory_space<hbm>>
      %dma_start3A_105 = arith.constant 0 : i32
      %dma_start3A_106 = tpu.memref_slice %arg5[%mul3A_102, %dma_start3A_105] : memref<819200x64xf32, #tpu.memory_space<hbm>> -> memref<200x64xf32, #tpu.memory_space<hbm>>
      tpu.enqueue_dma source(%arg9 : memref<200x64xf32, #tpu.memory_space<vmem>>) target(%dma_start3A_106 : memref<200x64xf32, #tpu.memory_space<hbm>>) target_semaphore(%arg18 : memref<!tpu.dma_semaphore, #tpu.memory_space<semaphore_mem>>)
      %mul3A_107 = arith.constant 4 : i32
      %mul3A_108 = arith.muli %scan3A_42, %mul3A_107 : i32
      %add3A_109 = arith.constant 2 : i32
      %add3A_110 = arith.addi %mul3A_108, %add3A_109 : i32
      %ge3A_111 = arith.constant 2 : i32
      %ge3A_112 = arith.cmpi sge, %add3A_110, %ge3A_111 : i32
      %convert_element_type3A_113 = arith.extui %ge3A_112 : i1 to i32
      %cond3A_114 = arith.constant 0 : i32
      %cond3A_115 = arith.cmpi ne, %convert_element_type3A_113, %cond3A_114 : i32
      scf.if %cond3A_115 {
        %dma_wait3A_175 = arith.constant 0 : i32
        %dma_wait3A_176 = arith.constant 0 : i32
        %dma_wait3A_177 = tpu.memref_slice %arg5[%dma_wait3A_175, %dma_wait3A_176] : memref<819200x64xf32, #tpu.memory_space<hbm>> -> memref<200x64xf32, #tpu.memory_space<hbm>>
        %dma_wait3A_178 = arith.constant 0 : i32
        %dma_wait3A_179 = arith.constant 0 : i32
        %dma_wait3A_180 = tpu.memref_slice %arg5[%dma_wait3A_178, %dma_wait3A_179] : memref<819200x64xf32, #tpu.memory_space<hbm>> -> memref<200x64xf32, #tpu.memory_space<hbm>>
        tpu.wait_dma2 semaphore(%arg17 : memref<!tpu.dma_semaphore, #tpu.memory_space<semaphore_mem>>) src(%arg8 : memref<200x64xf32, #tpu.memory_space<vmem>>) dst(%dma_wait3A_180 : memref<200x64xf32, #tpu.memory_space<hbm>>)
      } else {
      }
      %add3A_116 = arith.constant 2 : i32
      %add3A_117 = arith.addi %add3A_110, %add3A_116 : i32
      %lt3A_118 = arith.constant 128 : i32
      %lt3A_119 = arith.cmpi slt, %add3A_117, %lt3A_118 : i32
      %convert_element_type3A_120 = arith.extui %lt3A_119 : i1 to i32
      %cond3A_121 = arith.constant 0 : i32
      %cond3A_122 = arith.cmpi ne, %convert_element_type3A_120, %cond3A_121 : i32
      scf.if %cond3A_122 {
        %add3A_175 = arith.constant 2 : i32
        %add3A_176 = arith.addi %add3A_110, %add3A_175 : i32
        %mul3A_177 = arith.constant 200 : i32
        %mul3A_178 = arith.muli %add3A_176, %mul3A_177 : i32
        %dma_start3A_179 = tpu.memref_slice %arg7[%mul3A_178] : memref<25600xi32, #tpu.memory_space<vmem>> -> memref<200xi32, #tpu.memory_space<vmem>>
        %dma_start3A_180 = arith.constant 0 : i32
        %dma_start3A_181 = arith.constant 0 : i32
        %dma_start3A_182 = tpu.memref_slice %arg2[%dma_start3A_180, %dma_start3A_181] : memref<38400x64xf32, #tpu.memory_space<hbm>> -> memref<38400x64xf32, #tpu.memory_space<hbm>>
        tpu.enqueue_indirect_dma source(%dma_start3A_182 : memref<38400x64xf32, #tpu.memory_space<hbm>>) target(%arg8 : memref<200x64xf32, #tpu.memory_space<vmem>>) offsets(%dma_start3A_179 : memref<200xi32, #tpu.memory_space<vmem>>) semaphore(%arg13 : memref<!tpu.dma_semaphore, #tpu.memory_space<semaphore_mem>>)
      } else {
      }
      %dma_wait3A_123 = arith.constant 0 : i32
      %dma_wait3A_124 = tpu.memref_slice %arg7[%dma_wait3A_123] : memref<25600xi32, #tpu.memory_space<vmem>> -> memref<200xi32, #tpu.memory_space<vmem>>
      %dma_wait3A_125 = arith.constant 0 : i32
      %dma_wait3A_126 = arith.constant 0 : i32
      %dma_wait3A_127 = tpu.memref_slice %arg2[%dma_wait3A_125, %dma_wait3A_126] : memref<38400x64xf32, #tpu.memory_space<hbm>> -> memref<38400x64xf32, #tpu.memory_space<hbm>>
      tpu.wait_indirect_dma semaphore(%arg15 : memref<!tpu.dma_semaphore, #tpu.memory_space<semaphore_mem>>) src(%dma_wait3A_127 : memref<38400x64xf32, #tpu.memory_space<hbm>>) dst(%arg10 : memref<200x64xf32, #tpu.memory_space<vmem>>)
      %scan3A_128 = arith.constant 0 : i32
      %scan3A_129 = arith.constant 0 : i32
      %scan3A_130 = arith.constant 200 : i32
      %scan3A_131 = arith.addi %scan3A_129, %scan3A_130 : i32
      %scan3A_132 = arith.constant 4 : i32
      scf.for %scan3A_175 = %scan3A_129 to %scan3A_131 step %scan3A_132  : i32 {
        %mul3A_176 = arith.constant 64 : i32
        %mul3A_177 = arith.muli %scan3A_175, %mul3A_176 : i32
        %add3A_178 = arith.constant 0 : i32
        %add3A_179 = arith.addi %mul3A_177, %add3A_178 : i32
        %get3A = arith.index_cast %add3A_179 : i32 to index
        %get3A_180 = tpu.vector_load %arg6[%get3A] {strides = array<i32>} : memref<12800xf32, #tpu.memory_space<vmem>>, vector<16xf32>,
        %get3A_181 = vector.shape_cast %get3A_180 : vector<16xf32> to vector<16xf32>
        %swap3A = arith.index_cast %scan3A_175 : i32 to index
        %swap3A_182 = arith.constant 0 : index
        %swap3A_183 = tpu.vector_load %arg10[%swap3A, %swap3A_182] {strides = array<i32>} : memref<200x64xf32, #tpu.memory_space<vmem>>, vector<1x16xf32>,
        %swap3A_184 = vector.shape_cast %swap3A_183 : vector<1x16xf32> to vector<16xf32>
        %swap3A_185 = vector.shape_cast %get3A_181 : vector<16xf32> to vector<1x16xf32>
        tpu.vector_store %arg10[%swap3A, %swap3A_182], %swap3A_185 {add = true, strides = array<i32>} : memref<200x64xf32, #tpu.memory_space<vmem>>, vector<1x16xf32>,
        %add3A_186 = arith.constant 16 : i32
        %add3A_187 = arith.addi %mul3A_177, %add3A_186 : i32
        %get3A_188 = arith.index_cast %add3A_187 : i32 to index
        %get3A_189 = tpu.vector_load %arg6[%get3A_188] {strides = array<i32>} : memref<12800xf32, #tpu.memory_space<vmem>>, vector<16xf32>,
        %get3A_190 = vector.shape_cast %get3A_189 : vector<16xf32> to vector<16xf32>
        %swap3A_191 = arith.index_cast %scan3A_175 : i32 to index
        %swap3A_192 = arith.constant 16 : index
        %swap3A_193 = tpu.vector_load %arg10[%swap3A_191, %swap3A_192] {strides = array<i32>} : memref<200x64xf32, #tpu.memory_space<vmem>>, vector<1x16xf32>,
        %swap3A_194 = vector.shape_cast %swap3A_193 : vector<1x16xf32> to vector<16xf32>
        %swap3A_195 = vector.shape_cast %get3A_190 : vector<16xf32> to vector<1x16xf32>
        tpu.vector_store %arg10[%swap3A_191, %swap3A_192], %swap3A_195 {add = true, strides = array<i32>} : memref<200x64xf32, #tpu.memory_space<vmem>>, vector<1x16xf32>,
        %add3A_196 = arith.constant 32 : i32
        %add3A_197 = arith.addi %mul3A_177, %add3A_196 : i32
        %get3A_198 = arith.index_cast %add3A_197 : i32 to index
        %get3A_199 = tpu.vector_load %arg6[%get3A_198] {strides = array<i32>} : memref<12800xf32, #tpu.memory_space<vmem>>, vector<16xf32>,
        %get3A_200 = vector.shape_cast %get3A_199 : vector<16xf32> to vector<16xf32>
        %swap3A_201 = arith.index_cast %scan3A_175 : i32 to index
        %swap3A_202 = arith.constant 32 : index
        %swap3A_203 = tpu.vector_load %arg10[%swap3A_201, %swap3A_202] {strides = array<i32>} : memref<200x64xf32, #tpu.memory_space<vmem>>, vector<1x16xf32>,
        %swap3A_204 = vector.shape_cast %swap3A_203 : vector<1x16xf32> to vector<16xf32>
        %swap3A_205 = vector.shape_cast %get3A_200 : vector<16xf32> to vector<1x16xf32>
        tpu.vector_store %arg10[%swap3A_201, %swap3A_202], %swap3A_205 {add = true, strides = array<i32>} : memref<200x64xf32, #tpu.memory_space<vmem>>, vector<1x16xf32>,
        %add3A_206 = arith.constant 48 : i32
        %add3A_207 = arith.addi %mul3A_177, %add3A_206 : i32
        %get3A_208 = arith.index_cast %add3A_207 : i32 to index
        %get3A_209 = tpu.vector_load %arg6[%get3A_208] {strides = array<i32>} : memref<12800xf32, #tpu.memory_space<vmem>>, vector<16xf32>,
        %get3A_210 = vector.shape_cast %get3A_209 : vector<16xf32> to vector<16xf32>
        %swap3A_211 = arith.index_cast %scan3A_175 : i32 to index
        %swap3A_212 = arith.constant 48 : index
        %swap3A_213 = tpu.vector_load %arg10[%swap3A_211, %swap3A_212] {strides = array<i32>} : memref<200x64xf32, #tpu.memory_space<vmem>>, vector<1x16xf32>,
        %swap3A_214 = vector.shape_cast %swap3A_213 : vector<1x16xf32> to vector<16xf32>
        %swap3A_215 = vector.shape_cast %get3A_210 : vector<16xf32> to vector<1x16xf32>
        tpu.vector_store %arg10[%swap3A_211, %swap3A_212], %swap3A_215 {add = true, strides = array<i32>} : memref<200x64xf32, #tpu.memory_space<vmem>>, vector<1x16xf32>,
        %scan3A_216 = arith.constant 1 : i32
        %scan3A_217 = arith.addi %scan3A_175, %scan3A_216 : i32
        %mul3A_218 = arith.constant 64 : i32
        %mul3A_219 = arith.muli %scan3A_217, %mul3A_218 : i32
        %add3A_220 = arith.constant 0 : i32
        %add3A_221 = arith.addi %mul3A_219, %add3A_220 : i32
        %get3A_222 = arith.index_cast %add3A_221 : i32 to index
        %get3A_223 = tpu.vector_load %arg6[%get3A_222] {strides = array<i32>} : memref<12800xf32, #tpu.memory_space<vmem>>, vector<16xf32>,
        %get3A_224 = vector.shape_cast %get3A_223 : vector<16xf32> to vector<16xf32>
        %swap3A_225 = arith.index_cast %scan3A_217 : i32 to index
        %swap3A_226 = arith.constant 0 : index
        %swap3A_227 = tpu.vector_load %arg10[%swap3A_225, %swap3A_226] {strides = array<i32>} : memref<200x64xf32, #tpu.memory_space<vmem>>, vector<1x16xf32>,
        %swap3A_228 = vector.shape_cast %swap3A_227 : vector<1x16xf32> to vector<16xf32>
        %swap3A_229 = vector.shape_cast %get3A_224 : vector<16xf32> to vector<1x16xf32>
        tpu.vector_store %arg10[%swap3A_225, %swap3A_226], %swap3A_229 {add = true, strides = array<i32>} : memref<200x64xf32, #tpu.memory_space<vmem>>, vector<1x16xf32>,
        %add3A_230 = arith.constant 16 : i32
        %add3A_231 = arith.addi %mul3A_219, %add3A_230 : i32
        %get3A_232 = arith.index_cast %add3A_231 : i32 to index
        %get3A_233 = tpu.vector_load %arg6[%get3A_232] {strides = array<i32>} : memref<12800xf32, #tpu.memory_space<vmem>>, vector<16xf32>,
        %get3A_234 = vector.shape_cast %get3A_233 : vector<16xf32> to vector<16xf32>
        %swap3A_235 = arith.index_cast %scan3A_217 : i32 to index
        %swap3A_236 = arith.constant 16 : index
        %swap3A_237 = tpu.vector_load %arg10[%swap3A_235, %swap3A_236] {strides = array<i32>} : memref<200x64xf32, #tpu.memory_space<vmem>>, vector<1x16xf32>,
        %swap3A_238 = vector.shape_cast %swap3A_237 : vector<1x16xf32> to vector<16xf32>
        %swap3A_239 = vector.shape_cast %get3A_234 : vector<16xf32> to vector<1x16xf32>
        tpu.vector_store %arg10[%swap3A_235, %swap3A_236], %swap3A_239 {add = true, strides = array<i32>} : memref<200x64xf32, #tpu.memory_space<vmem>>, vector<1x16xf32>,
        %add3A_240 = arith.constant 32 : i32
        %add3A_241 = arith.addi %mul3A_219, %add3A_240 : i32
        %get3A_242 = arith.index_cast %add3A_241 : i32 to index
        %get3A_243 = tpu.vector_load %arg6[%get3A_242] {strides = array<i32>} : memref<12800xf32, #tpu.memory_space<vmem>>, vector<16xf32>,
        %get3A_244 = vector.shape_cast %get3A_243 : vector<16xf32> to vector<16xf32>
        %swap3A_245 = arith.index_cast %scan3A_217 : i32 to index
        %swap3A_246 = arith.constant 32 : index
        %swap3A_247 = tpu.vector_load %arg10[%swap3A_245, %swap3A_246] {strides = array<i32>} : memref<200x64xf32, #tpu.memory_space<vmem>>, vector<1x16xf32>,
        %swap3A_248 = vector.shape_cast %swap3A_247 : vector<1x16xf32> to vector<16xf32>
        %swap3A_249 = vector.shape_cast %get3A_244 : vector<16xf32> to vector<1x16xf32>
        tpu.vector_store %arg10[%swap3A_245, %swap3A_246], %swap3A_249 {add = true, strides = array<i32>} : memref<200x64xf32, #tpu.memory_space<vmem>>, vector<1x16xf32>,
        %add3A_250 = arith.constant 48 : i32
        %add3A_251 = arith.addi %mul3A_219, %add3A_250 : i32
        %get3A_252 = arith.index_cast %add3A_251 : i32 to index
        %get3A_253 = tpu.vector_load %arg6[%get3A_252] {strides = array<i32>} : memref<12800xf32, #tpu.memory_space<vmem>>, vector<16xf32>,
        %get3A_254 = vector.shape_cast %get3A_253 : vector<16xf32> to vector<16xf32>
        %swap3A_255 = arith.index_cast %scan3A_217 : i32 to index
        %swap3A_256 = arith.constant 48 : index
        %swap3A_257 = tpu.vector_load %arg10[%swap3A_255, %swap3A_256] {strides = array<i32>} : memref<200x64xf32, #tpu.memory_space<vmem>>, vector<1x16xf32>,
        %swap3A_258 = vector.shape_cast %swap3A_257 : vector<1x16xf32> to vector<16xf32>
        %swap3A_259 = vector.shape_cast %get3A_254 : vector<16xf32> to vector<1x16xf32>
        tpu.vector_store %arg10[%swap3A_255, %swap3A_256], %swap3A_259 {add = true, strides = array<i32>} : memref<200x64xf32, #tpu.memory_space<vmem>>, vector<1x16xf32>,
        %scan3A_260 = arith.constant 2 : i32
        %scan3A_261 = arith.addi %scan3A_175, %scan3A_260 : i32
        %mul3A_262 = arith.constant 64 : i32
        %mul3A_263 = arith.muli %scan3A_261, %mul3A_262 : i32
        %add3A_264 = arith.constant 0 : i32
        %add3A_265 = arith.addi %mul3A_263, %add3A_264 : i32
        %get3A_266 = arith.index_cast %add3A_265 : i32 to index
        %get3A_267 = tpu.vector_load %arg6[%get3A_266] {strides = array<i32>} : memref<12800xf32, #tpu.memory_space<vmem>>, vector<16xf32>,
        %get3A_268 = vector.shape_cast %get3A_267 : vector<16xf32> to vector<16xf32>
        %swap3A_269 = arith.index_cast %scan3A_261 : i32 to index
        %swap3A_270 = arith.constant 0 : index
        %swap3A_271 = tpu.vector_load %arg10[%swap3A_269, %swap3A_270] {strides = array<i32>} : memref<200x64xf32, #tpu.memory_space<vmem>>, vector<1x16xf32>,
        %swap3A_272 = vector.shape_cast %swap3A_271 : vector<1x16xf32> to vector<16xf32>
        %swap3A_273 = vector.shape_cast %get3A_268 : vector<16xf32> to vector<1x16xf32>
        tpu.vector_store %arg10[%swap3A_269, %swap3A_270], %swap3A_273 {add = true, strides = array<i32>} : memref<200x64xf32, #tpu.memory_space<vmem>>, vector<1x16xf32>,
        %add3A_274 = arith.constant 16 : i32
        %add3A_275 = arith.addi %mul3A_263, %add3A_274 : i32
        %get3A_276 = arith.index_cast %add3A_275 : i32 to index
        %get3A_277 = tpu.vector_load %arg6[%get3A_276] {strides = array<i32>} : memref<12800xf32, #tpu.memory_space<vmem>>, vector<16xf32>,
        %get3A_278 = vector.shape_cast %get3A_277 : vector<16xf32> to vector<16xf32>
        %swap3A_279 = arith.index_cast %scan3A_261 : i32 to index
        %swap3A_280 = arith.constant 16 : index
        %swap3A_281 = tpu.vector_load %arg10[%swap3A_279, %swap3A_280] {strides = array<i32>} : memref<200x64xf32, #tpu.memory_space<vmem>>, vector<1x16xf32>,
        %swap3A_282 = vector.shape_cast %swap3A_281 : vector<1x16xf32> to vector<16xf32>
        %swap3A_283 = vector.shape_cast %get3A_278 : vector<16xf32> to vector<1x16xf32>
        tpu.vector_store %arg10[%swap3A_279, %swap3A_280], %swap3A_283 {add = true, strides = array<i32>} : memref<200x64xf32, #tpu.memory_space<vmem>>, vector<1x16xf32>,
        %add3A_284 = arith.constant 32 : i32
        %add3A_285 = arith.addi %mul3A_263, %add3A_284 : i32
        %get3A_286 = arith.index_cast %add3A_285 : i32 to index
        %get3A_287 = tpu.vector_load %arg6[%get3A_286] {strides = array<i32>} : memref<12800xf32, #tpu.memory_space<vmem>>, vector<16xf32>,
        %get3A_288 = vector.shape_cast %get3A_287 : vector<16xf32> to vector<16xf32>
        %swap3A_289 = arith.index_cast %scan3A_261 : i32 to index
        %swap3A_290 = arith.constant 32 : index
        %swap3A_291 = tpu.vector_load %arg10[%swap3A_289, %swap3A_290] {strides = array<i32>} : memref<200x64xf32, #tpu.memory_space<vmem>>, vector<1x16xf32>,
        %swap3A_292 = vector.shape_cast %swap3A_291 : vector<1x16xf32> to vector<16xf32>
        %swap3A_293 = vector.shape_cast %get3A_288 : vector<16xf32> to vector<1x16xf32>
        tpu.vector_store %arg10[%swap3A_289, %swap3A_290], %swap3A_293 {add = true, strides = array<i32>} : memref<200x64xf32, #tpu.memory_space<vmem>>, vector<1x16xf32>,
        %add3A_294 = arith.constant 48 : i32
        %add3A_295 = arith.addi %mul3A_263, %add3A_294 : i32
        %get3A_296 = arith.index_cast %add3A_295 : i32 to index
        %get3A_297 = tpu.vector_load %arg6[%get3A_296] {strides = array<i32>} : memref<12800xf32, #tpu.memory_space<vmem>>, vector<16xf32>,
        %get3A_298 = vector.shape_cast %get3A_297 : vector<16xf32> to vector<16xf32>
        %swap3A_299 = arith.index_cast %scan3A_261 : i32 to index
        %swap3A_300 = arith.constant 48 : index
        %swap3A_301 = tpu.vector_load %arg10[%swap3A_299, %swap3A_300] {strides = array<i32>} : memref<200x64xf32, #tpu.memory_space<vmem>>, vector<1x16xf32>,
        %swap3A_302 = vector.shape_cast %swap3A_301 : vector<1x16xf32> to vector<16xf32>
        %swap3A_303 = vector.shape_cast %get3A_298 : vector<16xf32> to vector<1x16xf32>
        tpu.vector_store %arg10[%swap3A_299, %swap3A_300], %swap3A_303 {add = true, strides = array<i32>} : memref<200x64xf32, #tpu.memory_space<vmem>>, vector<1x16xf32>,
        %scan3A_304 = arith.constant 3 : i32
        %scan3A_305 = arith.addi %scan3A_175, %scan3A_304 : i32
        %mul3A_306 = arith.constant 64 : i32
        %mul3A_307 = arith.muli %scan3A_305, %mul3A_306 : i32
        %add3A_308 = arith.constant 0 : i32
        %add3A_309 = arith.addi %mul3A_307, %add3A_308 : i32
        %get3A_310 = arith.index_cast %add3A_309 : i32 to index
        %get3A_311 = tpu.vector_load %arg6[%get3A_310] {strides = array<i32>} : memref<12800xf32, #tpu.memory_space<vmem>>, vector<16xf32>,
        %get3A_312 = vector.shape_cast %get3A_311 : vector<16xf32> to vector<16xf32>
        %swap3A_313 = arith.index_cast %scan3A_305 : i32 to index
        %swap3A_314 = arith.constant 0 : index
        %swap3A_315 = tpu.vector_load %arg10[%swap3A_313, %swap3A_314] {strides = array<i32>} : memref<200x64xf32, #tpu.memory_space<vmem>>, vector<1x16xf32>,
        %swap3A_316 = vector.shape_cast %swap3A_315 : vector<1x16xf32> to vector<16xf32>
        %swap3A_317 = vector.shape_cast %get3A_312 : vector<16xf32> to vector<1x16xf32>
        tpu.vector_store %arg10[%swap3A_313, %swap3A_314], %swap3A_317 {add = true, strides = array<i32>} : memref<200x64xf32, #tpu.memory_space<vmem>>, vector<1x16xf32>,
        %add3A_318 = arith.constant 16 : i32
        %add3A_319 = arith.addi %mul3A_307, %add3A_318 : i32
        %get3A_320 = arith.index_cast %add3A_319 : i32 to index
        %get3A_321 = tpu.vector_load %arg6[%get3A_320] {strides = array<i32>} : memref<12800xf32, #tpu.memory_space<vmem>>, vector<16xf32>,
        %get3A_322 = vector.shape_cast %get3A_321 : vector<16xf32> to vector<16xf32>
        %swap3A_323 = arith.index_cast %scan3A_305 : i32 to index
        %swap3A_324 = arith.constant 16 : index
        %swap3A_325 = tpu.vector_load %arg10[%swap3A_323, %swap3A_324] {strides = array<i32>} : memref<200x64xf32, #tpu.memory_space<vmem>>, vector<1x16xf32>,
        %swap3A_326 = vector.shape_cast %swap3A_325 : vector<1x16xf32> to vector<16xf32>
        %swap3A_327 = vector.shape_cast %get3A_322 : vector<16xf32> to vector<1x16xf32>
        tpu.vector_store %arg10[%swap3A_323, %swap3A_324], %swap3A_327 {add = true, strides = array<i32>} : memref<200x64xf32, #tpu.memory_space<vmem>>, vector<1x16xf32>,
        %add3A_328 = arith.constant 32 : i32
        %add3A_329 = arith.addi %mul3A_307, %add3A_328 : i32
        %get3A_330 = arith.index_cast %add3A_329 : i32 to index
        %get3A_331 = tpu.vector_load %arg6[%get3A_330] {strides = array<i32>} : memref<12800xf32, #tpu.memory_space<vmem>>, vector<16xf32>,
        %get3A_332 = vector.shape_cast %get3A_331 : vector<16xf32> to vector<16xf32>
        %swap3A_333 = arith.index_cast %scan3A_305 : i32 to index
        %swap3A_334 = arith.constant 32 : index
        %swap3A_335 = tpu.vector_load %arg10[%swap3A_333, %swap3A_334] {strides = array<i32>} : memref<200x64xf32, #tpu.memory_space<vmem>>, vector<1x16xf32>,
        %swap3A_336 = vector.shape_cast %swap3A_335 : vector<1x16xf32> to vector<16xf32>
        %swap3A_337 = vector.shape_cast %get3A_332 : vector<16xf32> to vector<1x16xf32>
        tpu.vector_store %arg10[%swap3A_333, %swap3A_334], %swap3A_337 {add = true, strides = array<i32>} : memref<200x64xf32, #tpu.memory_space<vmem>>, vector<1x16xf32>,
        %add3A_338 = arith.constant 48 : i32
        %add3A_339 = arith.addi %mul3A_307, %add3A_338 : i32
        %get3A_340 = arith.index_cast %add3A_339 : i32 to index
        %get3A_341 = tpu.vector_load %arg6[%get3A_340] {strides = array<i32>} : memref<12800xf32, #tpu.memory_space<vmem>>, vector<16xf32>,
        %get3A_342 = vector.shape_cast %get3A_341 : vector<16xf32> to vector<16xf32>
        %swap3A_343 = arith.index_cast %scan3A_305 : i32 to index
        %swap3A_344 = arith.constant 48 : index
        %swap3A_345 = tpu.vector_load %arg10[%swap3A_343, %swap3A_344] {strides = array<i32>} : memref<200x64xf32, #tpu.memory_space<vmem>>, vector<1x16xf32>,
        %swap3A_346 = vector.shape_cast %swap3A_345 : vector<1x16xf32> to vector<16xf32>
        %swap3A_347 = vector.shape_cast %get3A_342 : vector<16xf32> to vector<1x16xf32>
        tpu.vector_store %arg10[%swap3A_343, %swap3A_344], %swap3A_347 {add = true, strides = array<i32>} : memref<200x64xf32, #tpu.memory_space<vmem>>, vector<1x16xf32>,
      }
      %scan3A_133 = arith.constant 200 : i32
      %add3A_134 = arith.addi %mul3A_2, %add3A_110 : i32
      %mul3A_135 = arith.constant 200 : i32
      %mul3A_136 = arith.muli %add3A_134, %mul3A_135 : i32
      %dma_start3A_137 = arith.constant 0 : i32
      %dma_start3A_138 = tpu.memref_slice %arg5[%mul3A_136, %dma_start3A_137] : memref<819200x64xf32, #tpu.memory_space<hbm>> -> memref<200x64xf32, #tpu.memory_space<hbm>>
      %dma_start3A_139 = arith.constant 0 : i32
      %dma_start3A_140 = tpu.memref_slice %arg5[%mul3A_136, %dma_start3A_139] : memref<819200x64xf32, #tpu.memory_space<hbm>> -> memref<200x64xf32, #tpu.memory_space<hbm>>
      tpu.enqueue_dma source(%arg10 : memref<200x64xf32, #tpu.memory_space<vmem>>) target(%dma_start3A_140 : memref<200x64xf32, #tpu.memory_space<hbm>>) target_semaphore(%arg19 : memref<!tpu.dma_semaphore, #tpu.memory_space<semaphore_mem>>)
      %mul3A_141 = arith.constant 4 : i32
      %mul3A_142 = arith.muli %scan3A_42, %mul3A_141 : i32
      %add3A_143 = arith.constant 3 : i32
      %add3A_144 = arith.addi %mul3A_142, %add3A_143 : i32
      %ge3A_145 = arith.constant 2 : i32
      %ge3A_146 = arith.cmpi sge, %add3A_144, %ge3A_145 : i32
      %convert_element_type3A_147 = arith.extui %ge3A_146 : i1 to i32
      %cond3A_148 = arith.constant 0 : i32
      %cond3A_149 = arith.cmpi ne, %convert_element_type3A_147, %cond3A_148 : i32
      scf.if %cond3A_149 {
        %dma_wait3A_175 = arith.constant 0 : i32
        %dma_wait3A_176 = arith.constant 0 : i32
        %dma_wait3A_177 = tpu.memref_slice %arg5[%dma_wait3A_175, %dma_wait3A_176] : memref<819200x64xf32, #tpu.memory_space<hbm>> -> memref<200x64xf32, #tpu.memory_space<hbm>>
        %dma_wait3A_178 = arith.constant 0 : i32
        %dma_wait3A_179 = arith.constant 0 : i32
        %dma_wait3A_180 = tpu.memref_slice %arg5[%dma_wait3A_178, %dma_wait3A_179] : memref<819200x64xf32, #tpu.memory_space<hbm>> -> memref<200x64xf32, #tpu.memory_space<hbm>>
        tpu.wait_dma2 semaphore(%arg18 : memref<!tpu.dma_semaphore, #tpu.memory_space<semaphore_mem>>) src(%arg9 : memref<200x64xf32, #tpu.memory_space<vmem>>) dst(%dma_wait3A_180 : memref<200x64xf32, #tpu.memory_space<hbm>>)
      } else {
      }
      %add3A_150 = arith.constant 2 : i32
      %add3A_151 = arith.addi %add3A_144, %add3A_150 : i32
      %lt3A_152 = arith.constant 128 : i32
      %lt3A_153 = arith.cmpi slt, %add3A_151, %lt3A_152 : i32
      %convert_element_type3A_154 = arith.extui %lt3A_153 : i1 to i32
      %cond3A_155 = arith.constant 0 : i32
      %cond3A_156 = arith.cmpi ne, %convert_element_type3A_154, %cond3A_155 : i32
      scf.if %cond3A_156 {
        %add3A_175 = arith.constant 2 : i32
        %add3A_176 = arith.addi %add3A_144, %add3A_175 : i32
        %mul3A_177 = arith.constant 200 : i32
        %mul3A_178 = arith.muli %add3A_176, %mul3A_177 : i32
        %dma_start3A_179 = tpu.memref_slice %arg7[%mul3A_178] : memref<25600xi32, #tpu.memory_space<vmem>> -> memref<200xi32, #tpu.memory_space<vmem>>
        %dma_start3A_180 = arith.constant 0 : i32
        %dma_start3A_181 = arith.constant 0 : i32
        %dma_start3A_182 = tpu.memref_slice %arg2[%dma_start3A_180, %dma_start3A_181] : memref<38400x64xf32, #tpu.memory_space<hbm>> -> memref<38400x64xf32, #tpu.memory_space<hbm>>
        tpu.enqueue_indirect_dma source(%dma_start3A_182 : memref<38400x64xf32, #tpu.memory_space<hbm>>) target(%arg9 : memref<200x64xf32, #tpu.memory_space<vmem>>) offsets(%dma_start3A_179 : memref<200xi32, #tpu.memory_space<vmem>>) semaphore(%arg14 : memref<!tpu.dma_semaphore, #tpu.memory_space<semaphore_mem>>)
      } else {
      }
      %dma_wait3A_157 = arith.constant 0 : i32
      %dma_wait3A_158 = tpu.memref_slice %arg7[%dma_wait3A_157] : memref<25600xi32, #tpu.memory_space<vmem>> -> memref<200xi32, #tpu.memory_space<vmem>>
      %dma_wait3A_159 = arith.constant 0 : i32
      %dma_wait3A_160 = arith.constant 0 : i32
      %dma_wait3A_161 = tpu.memref_slice %arg2[%dma_wait3A_159, %dma_wait3A_160] : memref<38400x64xf32, #tpu.memory_space<hbm>> -> memref<38400x64xf32, #tpu.memory_space<hbm>>
      tpu.wait_indirect_dma semaphore(%arg16 : memref<!tpu.dma_semaphore, #tpu.memory_space<semaphore_mem>>) src(%dma_wait3A_161 : memref<38400x64xf32, #tpu.memory_space<hbm>>) dst(%arg11 : memref<200x64xf32, #tpu.memory_space<vmem>>)
      %scan3A_162 = arith.constant 0 : i32
      %scan3A_163 = arith.constant 0 : i32
      %scan3A_164 = arith.constant 200 : i32
      %scan3A_165 = arith.addi %scan3A_163, %scan3A_164 : i32
      %scan3A_166 = arith.constant 4 : i32
      scf.for %scan3A_175 = %scan3A_163 to %scan3A_165 step %scan3A_166  : i32 {
        %mul3A_176 = arith.constant 64 : i32
        %mul3A_177 = arith.muli %scan3A_175, %mul3A_176 : i32
        %add3A_178 = arith.constant 0 : i32
        %add3A_179 = arith.addi %mul3A_177, %add3A_178 : i32
        %get3A = arith.index_cast %add3A_179 : i32 to index
        %get3A_180 = tpu.vector_load %arg6[%get3A] {strides = array<i32>} : memref<12800xf32, #tpu.memory_space<vmem>>, vector<16xf32>,
        %get3A_181 = vector.shape_cast %get3A_180 : vector<16xf32> to vector<16xf32>
        %swap3A = arith.index_cast %scan3A_175 : i32 to index
        %swap3A_182 = arith.constant 0 : index
        %swap3A_183 = tpu.vector_load %arg11[%swap3A, %swap3A_182] {strides = array<i32>} : memref<200x64xf32, #tpu.memory_space<vmem>>, vector<1x16xf32>,
        %swap3A_184 = vector.shape_cast %swap3A_183 : vector<1x16xf32> to vector<16xf32>
        %swap3A_185 = vector.shape_cast %get3A_181 : vector<16xf32> to vector<1x16xf32>
        tpu.vector_store %arg11[%swap3A, %swap3A_182], %swap3A_185 {add = true, strides = array<i32>} : memref<200x64xf32, #tpu.memory_space<vmem>>, vector<1x16xf32>,
        %add3A_186 = arith.constant 16 : i32
        %add3A_187 = arith.addi %mul3A_177, %add3A_186 : i32
        %get3A_188 = arith.index_cast %add3A_187 : i32 to index
        %get3A_189 = tpu.vector_load %arg6[%get3A_188] {strides = array<i32>} : memref<12800xf32, #tpu.memory_space<vmem>>, vector<16xf32>,
        %get3A_190 = vector.shape_cast %get3A_189 : vector<16xf32> to vector<16xf32>
        %swap3A_191 = arith.index_cast %scan3A_175 : i32 to index
        %swap3A_192 = arith.constant 16 : index
        %swap3A_193 = tpu.vector_load %arg11[%swap3A_191, %swap3A_192] {strides = array<i32>} : memref<200x64xf32, #tpu.memory_space<vmem>>, vector<1x16xf32>,
        %swap3A_194 = vector.shape_cast %swap3A_193 : vector<1x16xf32> to vector<16xf32>
        %swap3A_195 = vector.shape_cast %get3A_190 : vector<16xf32> to vector<1x16xf32>
        tpu.vector_store %arg11[%swap3A_191, %swap3A_192], %swap3A_195 {add = true, strides = array<i32>} : memref<200x64xf32, #tpu.memory_space<vmem>>, vector<1x16xf32>,
        %add3A_196 = arith.constant 32 : i32
        %add3A_197 = arith.addi %mul3A_177, %add3A_196 : i32
        %get3A_198 = arith.index_cast %add3A_197 : i32 to index
        %get3A_199 = tpu.vector_load %arg6[%get3A_198] {strides = array<i32>} : memref<12800xf32, #tpu.memory_space<vmem>>, vector<16xf32>,
        %get3A_200 = vector.shape_cast %get3A_199 : vector<16xf32> to vector<16xf32>
        %swap3A_201 = arith.index_cast %scan3A_175 : i32 to index
        %swap3A_202 = arith.constant 32 : index
        %swap3A_203 = tpu.vector_load %arg11[%swap3A_201, %swap3A_202] {strides = array<i32>} : memref<200x64xf32, #tpu.memory_space<vmem>>, vector<1x16xf32>,
        %swap3A_204 = vector.shape_cast %swap3A_203 : vector<1x16xf32> to vector<16xf32>
        %swap3A_205 = vector.shape_cast %get3A_200 : vector<16xf32> to vector<1x16xf32>
        tpu.vector_store %arg11[%swap3A_201, %swap3A_202], %swap3A_205 {add = true, strides = array<i32>} : memref<200x64xf32, #tpu.memory_space<vmem>>, vector<1x16xf32>,
        %add3A_206 = arith.constant 48 : i32
        %add3A_207 = arith.addi %mul3A_177, %add3A_206 : i32
        %get3A_208 = arith.index_cast %add3A_207 : i32 to index
        %get3A_209 = tpu.vector_load %arg6[%get3A_208] {strides = array<i32>} : memref<12800xf32, #tpu.memory_space<vmem>>, vector<16xf32>,
        %get3A_210 = vector.shape_cast %get3A_209 : vector<16xf32> to vector<16xf32>
        %swap3A_211 = arith.index_cast %scan3A_175 : i32 to index
        %swap3A_212 = arith.constant 48 : index
        %swap3A_213 = tpu.vector_load %arg11[%swap3A_211, %swap3A_212] {strides = array<i32>} : memref<200x64xf32, #tpu.memory_space<vmem>>, vector<1x16xf32>,
        %swap3A_214 = vector.shape_cast %swap3A_213 : vector<1x16xf32> to vector<16xf32>
        %swap3A_215 = vector.shape_cast %get3A_210 : vector<16xf32> to vector<1x16xf32>
        tpu.vector_store %arg11[%swap3A_211, %swap3A_212], %swap3A_215 {add = true, strides = array<i32>} : memref<200x64xf32, #tpu.memory_space<vmem>>, vector<1x16xf32>,
        %scan3A_216 = arith.constant 1 : i32
        %scan3A_217 = arith.addi %scan3A_175, %scan3A_216 : i32
        %mul3A_218 = arith.constant 64 : i32
        %mul3A_219 = arith.muli %scan3A_217, %mul3A_218 : i32
        %add3A_220 = arith.constant 0 : i32
        %add3A_221 = arith.addi %mul3A_219, %add3A_220 : i32
        %get3A_222 = arith.index_cast %add3A_221 : i32 to index
        %get3A_223 = tpu.vector_load %arg6[%get3A_222] {strides = array<i32>} : memref<12800xf32, #tpu.memory_space<vmem>>, vector<16xf32>,
        %get3A_224 = vector.shape_cast %get3A_223 : vector<16xf32> to vector<16xf32>
        %swap3A_225 = arith.index_cast %scan3A_217 : i32 to index
        %swap3A_226 = arith.constant 0 : index
        %swap3A_227 = tpu.vector_load %arg11[%swap3A_225, %swap3A_226] {strides = array<i32>} : memref<200x64xf32, #tpu.memory_space<vmem>>, vector<1x16xf32>,
        %swap3A_228 = vector.shape_cast %swap3A_227 : vector<1x16xf32> to vector<16xf32>
        %swap3A_229 = vector.shape_cast %get3A_224 : vector<16xf32> to vector<1x16xf32>
        tpu.vector_store %arg11[%swap3A_225, %swap3A_226], %swap3A_229 {add = true, strides = array<i32>} : memref<200x64xf32, #tpu.memory_space<vmem>>, vector<1x16xf32>,
        %add3A_230 = arith.constant 16 : i32
        %add3A_231 = arith.addi %mul3A_219, %add3A_230 : i32
        %get3A_232 = arith.index_cast %add3A_231 : i32 to index
        %get3A_233 = tpu.vector_load %arg6[%get3A_232] {strides = array<i32>} : memref<12800xf32, #tpu.memory_space<vmem>>, vector<16xf32>,
        %get3A_234 = vector.shape_cast %get3A_233 : vector<16xf32> to vector<16xf32>
        %swap3A_235 = arith.index_cast %scan3A_217 : i32 to index
        %swap3A_236 = arith.constant 16 : index
        %swap3A_237 = tpu.vector_load %arg11[%swap3A_235, %swap3A_236] {strides = array<i32>} : memref<200x64xf32, #tpu.memory_space<vmem>>, vector<1x16xf32>,
        %swap3A_238 = vector.shape_cast %swap3A_237 : vector<1x16xf32> to vector<16xf32>
        %swap3A_239 = vector.shape_cast %get3A_234 : vector<16xf32> to vector<1x16xf32>
        tpu.vector_store %arg11[%swap3A_235, %swap3A_236], %swap3A_239 {add = true, strides = array<i32>} : memref<200x64xf32, #tpu.memory_space<vmem>>, vector<1x16xf32>,
        %add3A_240 = arith.constant 32 : i32
        %add3A_241 = arith.addi %mul3A_219, %add3A_240 : i32
        %get3A_242 = arith.index_cast %add3A_241 : i32 to index
        %get3A_243 = tpu.vector_load %arg6[%get3A_242] {strides = array<i32>} : memref<12800xf32, #tpu.memory_space<vmem>>, vector<16xf32>,
        %get3A_244 = vector.shape_cast %get3A_243 : vector<16xf32> to vector<16xf32>
        %swap3A_245 = arith.index_cast %scan3A_217 : i32 to index
        %swap3A_246 = arith.constant 32 : index
        %swap3A_247 = tpu.vector_load %arg11[%swap3A_245, %swap3A_246] {strides = array<i32>} : memref<200x64xf32, #tpu.memory_space<vmem>>, vector<1x16xf32>,
        %swap3A_248 = vector.shape_cast %swap3A_247 : vector<1x16xf32> to vector<16xf32>
        %swap3A_249 = vector.shape_cast %get3A_244 : vector<16xf32> to vector<1x16xf32>
        tpu.vector_store %arg11[%swap3A_245, %swap3A_246], %swap3A_249 {add = true, strides = array<i32>} : memref<200x64xf32, #tpu.memory_space<vmem>>, vector<1x16xf32>,
        %add3A_250 = arith.constant 48 : i32
        %add3A_251 = arith.addi %mul3A_219, %add3A_250 : i32
        %get3A_252 = arith.index_cast %add3A_251 : i32 to index
        %get3A_253 = tpu.vector_load %arg6[%get3A_252] {strides = array<i32>} : memref<12800xf32, #tpu.memory_space<vmem>>, vector<16xf32>,
        %get3A_254 = vector.shape_cast %get3A_253 : vector<16xf32> to vector<16xf32>
        %swap3A_255 = arith.index_cast %scan3A_217 : i32 to index
        %swap3A_256 = arith.constant 48 : index
        %swap3A_257 = tpu.vector_load %arg11[%swap3A_255, %swap3A_256] {strides = array<i32>} : memref<200x64xf32, #tpu.memory_space<vmem>>, vector<1x16xf32>,
        %swap3A_258 = vector.shape_cast %swap3A_257 : vector<1x16xf32> to vector<16xf32>
        %swap3A_259 = vector.shape_cast %get3A_254 : vector<16xf32> to vector<1x16xf32>
        tpu.vector_store %arg11[%swap3A_255, %swap3A_256], %swap3A_259 {add = true, strides = array<i32>} : memref<200x64xf32, #tpu.memory_space<vmem>>, vector<1x16xf32>,
        %scan3A_260 = arith.constant 2 : i32
        %scan3A_261 = arith.addi %scan3A_175, %scan3A_260 : i32
        %mul3A_262 = arith.constant 64 : i32
        %mul3A_263 = arith.muli %scan3A_261, %mul3A_262 : i32
        %add3A_264 = arith.constant 0 : i32
        %add3A_265 = arith.addi %mul3A_263, %add3A_264 : i32
        %get3A_266 = arith.index_cast %add3A_265 : i32 to index
        %get3A_267 = tpu.vector_load %arg6[%get3A_266] {strides = array<i32>} : memref<12800xf32, #tpu.memory_space<vmem>>, vector<16xf32>,
        %get3A_268 = vector.shape_cast %get3A_267 : vector<16xf32> to vector<16xf32>
        %swap3A_269 = arith.index_cast %scan3A_261 : i32 to index
        %swap3A_270 = arith.constant 0 : index
        %swap3A_271 = tpu.vector_load %arg11[%swap3A_269, %swap3A_270] {strides = array<i32>} : memref<200x64xf32, #tpu.memory_space<vmem>>, vector<1x16xf32>,
        %swap3A_272 = vector.shape_cast %swap3A_271 : vector<1x16xf32> to vector<16xf32>
        %swap3A_273 = vector.shape_cast %get3A_268 : vector<16xf32> to vector<1x16xf32>
        tpu.vector_store %arg11[%swap3A_269, %swap3A_270], %swap3A_273 {add = true, strides = array<i32>} : memref<200x64xf32, #tpu.memory_space<vmem>>, vector<1x16xf32>,
        %add3A_274 = arith.constant 16 : i32
        %add3A_275 = arith.addi %mul3A_263, %add3A_274 : i32
        %get3A_276 = arith.index_cast %add3A_275 : i32 to index
        %get3A_277 = tpu.vector_load %arg6[%get3A_276] {strides = array<i32>} : memref<12800xf32, #tpu.memory_space<vmem>>, vector<16xf32>,
        %get3A_278 = vector.shape_cast %get3A_277 : vector<16xf32> to vector<16xf32>
        %swap3A_279 = arith.index_cast %scan3A_261 : i32 to index
        %swap3A_280 = arith.constant 16 : index
        %swap3A_281 = tpu.vector_load %arg11[%swap3A_279, %swap3A_280] {strides = array<i32>} : memref<200x64xf32, #tpu.memory_space<vmem>>, vector<1x16xf32>,
        %swap3A_282 = vector.shape_cast %swap3A_281 : vector<1x16xf32> to vector<16xf32>
        %swap3A_283 = vector.shape_cast %get3A_278 : vector<16xf32> to vector<1x16xf32>
        tpu.vector_store %arg11[%swap3A_279, %swap3A_280], %swap3A_283 {add = true, strides = array<i32>} : memref<200x64xf32, #tpu.memory_space<vmem>>, vector<1x16xf32>,
        %add3A_284 = arith.constant 32 : i32
        %add3A_285 = arith.addi %mul3A_263, %add3A_284 : i32
        %get3A_286 = arith.index_cast %add3A_285 : i32 to index
        %get3A_287 = tpu.vector_load %arg6[%get3A_286] {strides = array<i32>} : memref<12800xf32, #tpu.memory_space<vmem>>, vector<16xf32>,
        %get3A_288 = vector.shape_cast %get3A_287 : vector<16xf32> to vector<16xf32>
        %swap3A_289 = arith.index_cast %scan3A_261 : i32 to index
        %swap3A_290 = arith.constant 32 : index
        %swap3A_291 = tpu.vector_load %arg11[%swap3A_289, %swap3A_290] {strides = array<i32>} : memref<200x64xf32, #tpu.memory_space<vmem>>, vector<1x16xf32>,
        %swap3A_292 = vector.shape_cast %swap3A_291 : vector<1x16xf32> to vector<16xf32>
        %swap3A_293 = vector.shape_cast %get3A_288 : vector<16xf32> to vector<1x16xf32>
        tpu.vector_store %arg11[%swap3A_289, %swap3A_290], %swap3A_293 {add = true, strides = array<i32>} : memref<200x64xf32, #tpu.memory_space<vmem>>, vector<1x16xf32>,
        %add3A_294 = arith.constant 48 : i32
        %add3A_295 = arith.addi %mul3A_263, %add3A_294 : i32
        %get3A_296 = arith.index_cast %add3A_295 : i32 to index
        %get3A_297 = tpu.vector_load %arg6[%get3A_296] {strides = array<i32>} : memref<12800xf32, #tpu.memory_space<vmem>>, vector<16xf32>,
        %get3A_298 = vector.shape_cast %get3A_297 : vector<16xf32> to vector<16xf32>
        %swap3A_299 = arith.index_cast %scan3A_261 : i32 to index
        %swap3A_300 = arith.constant 48 : index
        %swap3A_301 = tpu.vector_load %arg11[%swap3A_299, %swap3A_300] {strides = array<i32>} : memref<200x64xf32, #tpu.memory_space<vmem>>, vector<1x16xf32>,
        %swap3A_302 = vector.shape_cast %swap3A_301 : vector<1x16xf32> to vector<16xf32>
        %swap3A_303 = vector.shape_cast %get3A_298 : vector<16xf32> to vector<1x16xf32>
        tpu.vector_store %arg11[%swap3A_299, %swap3A_300], %swap3A_303 {add = true, strides = array<i32>} : memref<200x64xf32, #tpu.memory_space<vmem>>, vector<1x16xf32>,
        %scan3A_304 = arith.constant 3 : i32
        %scan3A_305 = arith.addi %scan3A_175, %scan3A_304 : i32
        %mul3A_306 = arith.constant 64 : i32
        %mul3A_307 = arith.muli %scan3A_305, %mul3A_306 : i32
        %add3A_308 = arith.constant 0 : i32
        %add3A_309 = arith.addi %mul3A_307, %add3A_308 : i32
        %get3A_310 = arith.index_cast %add3A_309 : i32 to index
        %get3A_311 = tpu.vector_load %arg6[%get3A_310] {strides = array<i32>} : memref<12800xf32, #tpu.memory_space<vmem>>, vector<16xf32>,
        %get3A_312 = vector.shape_cast %get3A_311 : vector<16xf32> to vector<16xf32>
        %swap3A_313 = arith.index_cast %scan3A_305 : i32 to index
        %swap3A_314 = arith.constant 0 : index
        %swap3A_315 = tpu.vector_load %arg11[%swap3A_313, %swap3A_314] {strides = array<i32>} : memref<200x64xf32, #tpu.memory_space<vmem>>, vector<1x16xf32>,
        %swap3A_316 = vector.shape_cast %swap3A_315 : vector<1x16xf32> to vector<16xf32>
        %swap3A_317 = vector.shape_cast %get3A_312 : vector<16xf32> to vector<1x16xf32>
        tpu.vector_store %arg11[%swap3A_313, %swap3A_314], %swap3A_317 {add = true, strides = array<i32>} : memref<200x64xf32, #tpu.memory_space<vmem>>, vector<1x16xf32>,
        %add3A_318 = arith.constant 16 : i32
        %add3A_319 = arith.addi %mul3A_307, %add3A_318 : i32
        %get3A_320 = arith.index_cast %add3A_319 : i32 to index
        %get3A_321 = tpu.vector_load %arg6[%get3A_320] {strides = array<i32>} : memref<12800xf32, #tpu.memory_space<vmem>>, vector<16xf32>,
        %get3A_322 = vector.shape_cast %get3A_321 : vector<16xf32> to vector<16xf32>
        %swap3A_323 = arith.index_cast %scan3A_305 : i32 to index
        %swap3A_324 = arith.constant 16 : index
        %swap3A_325 = tpu.vector_load %arg11[%swap3A_323, %swap3A_324] {strides = array<i32>} : memref<200x64xf32, #tpu.memory_space<vmem>>, vector<1x16xf32>,
        %swap3A_326 = vector.shape_cast %swap3A_325 : vector<1x16xf32> to vector<16xf32>
        %swap3A_327 = vector.shape_cast %get3A_322 : vector<16xf32> to vector<1x16xf32>
        tpu.vector_store %arg11[%swap3A_323, %swap3A_324], %swap3A_327 {add = true, strides = array<i32>} : memref<200x64xf32, #tpu.memory_space<vmem>>, vector<1x16xf32>,
        %add3A_328 = arith.constant 32 : i32
        %add3A_329 = arith.addi %mul3A_307, %add3A_328 : i32
        %get3A_330 = arith.index_cast %add3A_329 : i32 to index
        %get3A_331 = tpu.vector_load %arg6[%get3A_330] {strides = array<i32>} : memref<12800xf32, #tpu.memory_space<vmem>>, vector<16xf32>,
        %get3A_332 = vector.shape_cast %get3A_331 : vector<16xf32> to vector<16xf32>
        %swap3A_333 = arith.index_cast %scan3A_305 : i32 to index
        %swap3A_334 = arith.constant 32 : index
        %swap3A_335 = tpu.vector_load %arg11[%swap3A_333, %swap3A_334] {strides = array<i32>} : memref<200x64xf32, #tpu.memory_space<vmem>>, vector<1x16xf32>,
        %swap3A_336 = vector.shape_cast %swap3A_335 : vector<1x16xf32> to vector<16xf32>
        %swap3A_337 = vector.shape_cast %get3A_332 : vector<16xf32> to vector<1x16xf32>
        tpu.vector_store %arg11[%swap3A_333, %swap3A_334], %swap3A_337 {add = true, strides = array<i32>} : memref<200x64xf32, #tpu.memory_space<vmem>>, vector<1x16xf32>,
        %add3A_338 = arith.constant 48 : i32
        %add3A_339 = arith.addi %mul3A_307, %add3A_338 : i32
        %get3A_340 = arith.index_cast %add3A_339 : i32 to index
        %get3A_341 = tpu.vector_load %arg6[%get3A_340] {strides = array<i32>} : memref<12800xf32, #tpu.memory_space<vmem>>, vector<16xf32>,
        %get3A_342 = vector.shape_cast %get3A_341 : vector<16xf32> to vector<16xf32>
        %swap3A_343 = arith.index_cast %scan3A_305 : i32 to index
        %swap3A_344 = arith.constant 48 : index
        %swap3A_345 = tpu.vector_load %arg11[%swap3A_343, %swap3A_344] {strides = array<i32>} : memref<200x64xf32, #tpu.memory_space<vmem>>, vector<1x16xf32>,
        %swap3A_346 = vector.shape_cast %swap3A_345 : vector<1x16xf32> to vector<16xf32>
        %swap3A_347 = vector.shape_cast %get3A_342 : vector<16xf32> to vector<1x16xf32>
        tpu.vector_store %arg11[%swap3A_343, %swap3A_344], %swap3A_347 {add = true, strides = array<i32>} : memref<200x64xf32, #tpu.memory_space<vmem>>, vector<1x16xf32>,
      }
      %scan3A_167 = arith.constant 200 : i32
      %add3A_168 = arith.addi %mul3A_2, %add3A_144 : i32
      %mul3A_169 = arith.constant 200 : i32
      %mul3A_170 = arith.muli %add3A_168, %mul3A_169 : i32
      %dma_start3A_171 = arith.constant 0 : i32
      %dma_start3A_172 = tpu.memref_slice %arg5[%mul3A_170, %dma_start3A_171] : memref<819200x64xf32, #tpu.memory_space<hbm>> -> memref<200x64xf32, #tpu.memory_space<hbm>>
      %dma_start3A_173 = arith.constant 0 : i32
      %dma_start3A_174 = tpu.memref_slice %arg5[%mul3A_170, %dma_start3A_173] : memref<819200x64xf32, #tpu.memory_space<hbm>> -> memref<200x64xf32, #tpu.memory_space<hbm>>
      tpu.enqueue_dma source(%arg11 : memref<200x64xf32, #tpu.memory_space<vmem>>) target(%dma_start3A_174 : memref<200x64xf32, #tpu.memory_space<hbm>>) target_semaphore(%arg20 : memref<!tpu.dma_semaphore, #tpu.memory_space<semaphore_mem>>)
    }
    %scan3A_29 = arith.constant 32 : i32
    %dma_wait3A_30 = arith.constant 0 : i32
    %dma_wait3A_31 = arith.constant 0 : i32
    %dma_wait3A_32 = tpu.memref_slice %arg5[%dma_wait3A_30, %dma_wait3A_31] : memref<819200x64xf32, #tpu.memory_space<hbm>> -> memref<200x64xf32, #tpu.memory_space<hbm>>
    %dma_wait3A_33 = arith.constant 0 : i32
    %dma_wait3A_34 = arith.constant 0 : i32
    %dma_wait3A_35 = tpu.memref_slice %arg5[%dma_wait3A_33, %dma_wait3A_34] : memref<819200x64xf32, #tpu.memory_space<hbm>> -> memref<200x64xf32, #tpu.memory_space<hbm>>
    tpu.wait_dma2 semaphore(%arg19 : memref<!tpu.dma_semaphore, #tpu.memory_space<semaphore_mem>>) src(%arg10 : memref<200x64xf32, #tpu.memory_space<vmem>>) dst(%dma_wait3A_35 : memref<200x64xf32, #tpu.memory_space<hbm>>)
    %dma_wait3A_36 = arith.constant 0 : i32
    %dma_wait3A_37 = arith.constant 0 : i32
    %dma_wait3A_38 = tpu.memref_slice %arg5[%dma_wait3A_36, %dma_wait3A_37] : memref<819200x64xf32, #tpu.memory_space<hbm>> -> memref<200x64xf32, #tpu.memory_space<hbm>>
    %dma_wait3A_39 = arith.constant 0 : i32
    %dma_wait3A_40 = arith.constant 0 : i32
    %dma_wait3A_41 = tpu.memref_slice %arg5[%dma_wait3A_39, %dma_wait3A_40] : memref<819200x64xf32, #tpu.memory_space<hbm>> -> memref<200x64xf32, #tpu.memory_space<hbm>>
    tpu.wait_dma2 semaphore(%arg20 : memref<!tpu.dma_semaphore, #tpu.memory_space<semaphore_mem>>) src(%arg11 : memref<200x64xf32, #tpu.memory_space<vmem>>) dst(%dma_wait3A_41 : memref<200x64xf32, #tpu.memory_space<hbm>>)
    return
  }
}

</mosaic_0001>

<sc_bundles>
// kernel: kernel.3.cloned.1.call-start
scs
__scs_entry_jumppad:
0x0: {  	(pc) =	sbr.rel $0x88, $3  }
0x1: {  	(tag) =	ssettag $0x0;
	lr =	simm.s32 $0x1  }
0x2: {  	[smem:$0x3F9E] =	sst lr;
	_ =	strace $0xD0000000  }
0x3: {  	_ = 	snop  }
0x4: {  	_ = 	snop  }
0x5: {  	_ = 	snop  }
0x6: {  	_ = 	snop  }
0x7: {  	_ = 	snop  }
__scs_overlays_trampoline_lowered:
0x8: {  	[smem:$0x3FAD] =	sst s0  }
0x9: {  	[smem:$0x3FAE] =	sst s1  }
0xa: {  	[smem:$0x3FAF] =	sst s2  }
0xb: {  	[smem:$0x3FB0] =	sst s3  }
0xc: {  	[smem:$0x3FB1] =	sst s4  }
0xd: {  	[smem:$0x3FB2] =	sst s5  }
0xe: {  	[smem:$0x3FB3] =	sst s6  }
0xf: {  	[smem:$0x3FB4] =	sst s7  }
0x10: {  	[smem:$0x3FB5] =	sst s8  }
0x11: {  	[smem:$0x3FB6] =	sst s9;
	s0 =	simm.s32 @!p0 $0x0  }
0x12: {  	s1 =	sld [smem:$0x3F9C];
	s0 =	simm.s32 @p0 $0x1  }
0x13: {  	[smem:$0x3FB7] =	sst s0;
	s0 =	simm.s32 @!p1 $0x0  }
0x14: {  	s2 =	sld [smem:$0x3F9B];
	s0 =	simm.s32 @p1 $0x1  }
0x15: {  	[smem:$0x3FB8] =	sst s0;
	s0 =	simm.s32 @!p2 $0x0  }
0x16: {  	s3 =	sld [smem:$0x3FDB];
	s0 =	simm.s32 @p2 $0x1  }
0x17: {  	s4 =	simm.s32 $0x1BF5;
	[smem:$0x3FBA] =	sst s0  }
0x18: {  	s0 =	sld [smem:$0x3F9D];
	_ =	swait.ge [sflag:s4], $0x0  }
0x19: {  	s7 =	sld [smem:$0x3F9E]  }
0x1a: {  	s8 =	sadd.s32 $0xFFFFE003, lr  }
0x1b: {  	s9 =	sadd.s32 $0xFFFFFEF7, lr;
	s5 =	simm.s32 $0xFFFFFFFF;
	p2 =	slt.u32 s8, $0xFFFFF086  }
0x1c: {  	p1 =	slt.u32 s9, $0xF7A;
	s5 =	simm.s32 @!p2 $0x0  }
0x1d: {  	s5 =	simm.s32 @p1 $0x1;
	p0 =	seq.s32 s7, s2  }
0x1e: {  	s7 =	smul.u32 @!p0 $0xF7A, s2;
	p2 =	seq.s32 @!p0 s5, $0x0  }
0x1f: {  	s9 =	smul.u32 $0xF7A, s1;
	s8 =	simm.s32 @!p0 $0x1BF5;
	p2 =	por !p2, p0  }
0x20: {  	[sflag:s8] =	ssyncset.s32 @!p0 $0xFFFFF086;
	s6 =	sadd.s32 @!p0 s3, s7;
	s7 =	simm.s32 @!p0 $0x108  }
0x21: {  	s3 =	sadd.s32 s3, s9;
	s6 =	sadd.s32 @!p0 $0x88, s6;
	s7 =	simm.s32 @p2 $0x1082  }
0x22: {  	[simem:s7], [sflag:s8] =	dma.local @!p0 [hbm:s6], $0xF7A  }
0x23: {  	s9 =	sor.u32 $0xD0000000, s2;
	s6 =	simm.s32 $0x108;
	_ =	swait.ge @!p0 [sflag:s8], $0x0  }
0x24: {  	s3 =	sadd.s32 $0x88, s3;
	s6 =	simm.s32 @!p1 $0x1082;
	[sflag:s4] =	ssyncset.s32 $0xFFFFF086  }
0x25: {  	[simem:s6], [sflag:s4] =	dma.local [hbm:s3], $0xF7A  }
0x26: {  	[smem:$0x3F9E] =	sst s1;
	(tag) =	ssettag s2;
	_ =	strace s9  }
0x27: {  	s1 =	sld [smem:$0x3FAE]  }
0x28: {  	s2 =	sld [smem:$0x3FAF]  }
0x29: {  	s4 =	sld [smem:$0x3FB1]  }
0x2a: {  	p0 =	seq.s32 s5, $0x0;
	s5 =	sld [smem:$0x3FB2]  }
0x2b: {  	s6 =	sld [smem:$0x3FB3]  }
0x2c: {  	s7 =	sld [smem:$0x3FB4]  }
0x2d: {  	s3 =	simm.s32 $0x108;
	s8 =	sld [smem:$0x3FB5]  }
0x2e: {  	s3 =	simm.s32 @!p0 $0x1082;
	s9 =	sld [smem:$0x3FB6]  }
0x2f: {  	lr =	sadd.s32 s0, s3;
	s0 =	sld [smem:$0x3FAD]  }
0x30: {  	s3 =	sld [smem:$0x3FB0]  }
0x31: {  	[smem:$0x3FB9] =	sst s10  }
0x32: {  	s10 =	sld [smem:$0x3FB7];
	_ =	sdelay $0x3  }
0x33: {  	p0 =	seq.s32 s10, $0x1;
	s10 =	sld [smem:$0x3FB9];
	_ =	sdelay $0x3  }
0x34: {  	[smem:$0x3FB9] =	sst s10  }
0x35: {  	s10 =	sld [smem:$0x3FB8];
	_ =	sdelay $0x3  }
0x36: {  	p1 =	seq.s32 s10, $0x1;
	s10 =	sld [smem:$0x3FB9];
	_ =	sdelay $0x3  }
0x37: {  	[smem:$0x3FB9] =	sst s10  }
0x38: {  	s10 =	sld [smem:$0x3FBA]  }
0x39: {  	_ = 	snop;
	(pc) =	sbr.ind lr, $3  }
0x3a: {  	_ = 	snop  }
0x3b: {  	_ = 	snop  }
0x3c: {  	p2 =	seq.s32 s10, $0x1;
	s10 =	sld [smem:$0x3FB9]  }
0x3d: {  	_ =	shalt  }
0x3e: {  	_ =	shalt  }
0x3f: {  	_ =	shalt  }
0x40: {  	_ =	shalt  }
0x41: {  	_ =	shalt  }
0x42: {  	_ =	shalt  }
0x43: {  	_ =	shalt  }
0x44: {  	_ =	shalt  }
0x45: {  	_ =	shalt  }
0x46: {  	_ =	shalt  }
0x47: {  	_ =	shalt  }
0x48: {  	_ =	shalt  }
0x49: {  	_ =	shalt  }
0x4a: {  	_ =	shalt  }
0x4b: {  	_ =	shalt  }
0x4c: {  	_ =	shalt  }
0x4d: {  	_ =	shalt  }
0x4e: {  	_ =	shalt  }
0x4f: {  	_ =	shalt  }
0x50: {  	_ =	shalt  }
0x51: {  	_ =	shalt  }
0x52: {  	_ =	shalt  }
0x53: {  	_ =	shalt  }
0x54: {  	_ =	shalt  }
0x55: {  	_ =	shalt  }
0x56: {  	_ =	shalt  }
0x57: {  	_ =	shalt  }
0x58: {  	_ =	shalt  }
0x59: {  	_ =	shalt  }
0x5a: {  	_ =	shalt  }
0x5b: {  	_ =	shalt  }
0x5c: {  	_ =	shalt  }
0x5d: {  	_ =	shalt  }
0x5e: {  	_ =	shalt  }
0x5f: {  	_ =	shalt  }
0x60: {  	_ =	shalt  }
0x61: {  	_ =	shalt  }
0x62: {  	_ =	shalt  }
0x63: {  	_ =	shalt  }
0x64: {  	_ =	shalt  }
0x65: {  	_ =	shalt  }
0x66: {  	_ =	shalt  }
0x67: {  	_ =	shalt  }
0x68: {  	_ =	shalt  }
0x69: {  	_ =	shalt  }
0x6a: {  	_ =	shalt  }
0x6b: {  	_ =	shalt  }
0x6c: {  	_ =	shalt  }
0x6d: {  	_ =	shalt  }
0x6e: {  	_ =	shalt  }
0x6f: {  	_ =	shalt  }
0x70: {  	_ =	shalt  }
0x71: {  	_ =	shalt  }
0x72: {  	_ =	shalt  }
0x73: {  	_ =	shalt  }
0x74: {  	_ =	shalt  }
0x75: {  	_ =	shalt  }
0x76: {  	_ =	shalt  }
0x77: {  	_ =	shalt  }
0x78: {  	_ =	shalt  }
0x79: {  	_ =	shalt  }
0x7a: {  	_ =	shalt  }
0x7b: {  	_ =	shalt  }
0x7c: {  	_ =	shalt  }
0x7d: {  	_ =	shalt  }
0x7e: {  	_ =	shalt  }
0x7f: {  	_ =	shalt  }
0x80: {  	_ =	shalt  }
0x81: {  	_ =	shalt  }
0x82: {  	_ =	shalt  }
0x83: {  	_ =	shalt  }
0x84: {  	_ =	shalt  }
0x85: {  	_ =	shalt  }
0x86: {  	_ =	shalt  }
0x87: {  	_ =	shalt  }
.Lfunc_end0:
.L_simem_size_0:
called_computation.1_lowered:
.L_overlay_start_0:
0x88: {  	s2 =	sld [smem:$0x3FD9]  }
0x89: {  	s3 =	sld [smem:$0x3FFE];
	_ =	sdelay $0x1  }
0x8a: {  	s1 =	srdreg.scid  }
0x8b: {  	s0 =	sand.u32 $0x1, s1  }
0x8c: {  	s17 =	sshll.u32 s0, $0xA;
	s2 =	sadd.s32 s3, s2  }
0x8d: {  	s2 =	sadd.s32 s2, s17  }
0x8e: {  	[smem:$0x3FC5] =	sst s2  }
0x8f: {  	_ = 	snop  }
0x90: {  	s2 =	sld [smem:$0x3FD0];
	(tm) =	ssettm $0x1  }
0x91: {  	s18 =	sld [smem:$0x3FFB];
	_ =	sdelay $0x3  }
0x92: {  	_ =	strace s18  }
0x93: {  	s3 =	sld [smem:$0x3FFC];
	_ =	sdelay $0x3  }
0x94: {  	_ =	strace s3  }
0x95: {  	s3 =	sld [smem:$0x3FFD];
	_ =	sdelay $0x3  }
0x96: {  	_ =	strace s3  }
0x97: {  	_ =	strace $0x8FFFFFFF  }
0x98: {  	s19 =	sld [smem:$0x3FDB];
	_ =	sdelay $0x1  }
0x99: {  	s4 =	simm.s32 $_scs_section_size  }
0x9a: {  	s5 =	simm.s32 $_size__tile_overlayer_lowered;
	s6 =	simm.s32 $_tile_overlayer_lowered  }
0x9b: {  	s22 =	simm.s32 $0x1BFF;
	s21 =	sshll.u32 s6, $0x1;
	s3 =	sadd.s32 s4, s19  }
0x9c: {  	s7 =	simm.s32 $0x0;
	s20 =	sshll.u32 s5, $0x1;
	s5 =	sadd.s32 s21, s3  }
0x9d: {  	[timem:s7], [sflag:s22] =	dma.local [hbm:s5], s20  }
0x9e: {  	_ =	swait.ge [sflag:s22], s20  }
0x9f: {  	s4 =	ssub.s32 $0x0, s20;
	[sflag:s22] =	ssyncset.done $0x0  }
0xa0: {  	[sflag:s22] =	ssyncadd.s32 s4;
	_ =	sdelay $0x1  }
0xa1: {  	s23 =	simm.s32 $0x1B8B  }
0xa2: {  	_ =	swait.ge [sflag:s23], $0x1  }
0xa3: {  	[sflag:s23] =	ssyncset.done $0x0  }
0xa4: {  	s25 =	simm.s32 $0x1B8E;
	s24 =	sld [smem:$0x3FFE];
	[sflag:s23] =	ssyncadd.s32 $0xFFFFFFFF  }
0xa5: {  	s26 =	simm.s32 $execute0_lowered;
	[smem:$0x3FD2] =	sst s25  }
0xa6: {  	s5 =	sshll.u32 s26, $0x1;
	_ =	strace $0x80000046;
	[dreg:$0x1] =	wrdreg $0xFFFFFFFF  }
0xa7: {  	s28 =	simm.s32 $_size_execute0_lowered;
	s3 =	sadd.s32 s3, s5;
	[dreg:$0x0] =	wrdreg $0x0  }
0xa8: {  	s5 =	sshll.u32 s28, $0x1;
	[dreg:$0x2] =	wrdreg s3  }
0xa9: {  	[dreg:$0x3] =	wrdreg s5  }
0xaa: {  	[dreg:$0x4] =	wrdreg $0xC0  }
0xab: {  	_ =	task [dreg:s7], $0x5FFFF  }
0xac: {  	[dreg:$0x1] =	wrdreg $0xFFFFFFFF  }
0xad: {  	[dreg:$0x0] =	wrdreg $0x60  }
0xae: {  	[dreg:$0x2] =	wrdreg s24  }
0xaf: {  	[dreg:$0x3] =	wrdreg s2  }
0xb0: {  	[dreg:$0x4] =	wrdreg $0x9  }
0xb1: {  	_ =	task.clear_ibuf [dreg:s7], $0x5FFFF;
	_ =	strace $0x90000046  }
0xb2: {  	s29 =	simm.s32 $0x9;
	_ =	strace $0x80000048  }
0xb3: {  	_ =	swait.ge [sflag:s29], $0x1  }
0xb4: {  	[sflag:s29] =	ssyncadd.s32 $0xFFFFFFFF  }
0xb5: {  	_ =	strace $0x90000048  }
0xb6: {  	_ =	sfence  }
0xb7: {  	s30 =	sld [smem:$0x0];
	_ =	sdelay $0x2  }
0xb8: {  	s31 =	sshll.u32 s1, $0xD;
	s1 =	sshrl.u32 s1, $0x2  }
0xb9: {  	s3 =	sand.u32 $0x4000, s31;
	s1 =	sadd.s32 s1, s30  }
0xba: {  	s0 =	sor.u32 s3, s0;
	s1 =	sshll.u32 s1, $0x11  }
0xbb: {  	s0 =	sor.u32 s1, s0  }
0xbc: {  	s0 =	sadd.s32 $0x8F2B, s0  }
0xbd: {  	[sflag:s0] =	ssyncadd.remote.s32 $0x1  }
0xbe: {  	_ =	sfence.sel $0xFFFF  }
0xbf: {  	[dreg:$0x0] =	wrdreg $0xFFFFFFFF;
	(pc) =	sbr.abs _section_cstart, $3  }
0xc0: {  	[dreg:$0x1] =	wrdreg $0xFFFFFFFF  }
0xc1: {  	_ =	task.clear_ibuf [dreg:s7], $0x2FFFF;
	_ =	strace $0x9FFFFFFF  }
0xc2: {  	(tm) =	ssettm $0x7FFFFFFF  }
0xc3: {  	_ =	shalt  }
tec
execute0_lowered:
.L_overlay_start_1:
0x0: {  	(tag) =	ssettag $0x1  }
0x1: {  	s0 =	rddreg [dreg:$0x0];
	s1 =	srdreg.scid  }
0x2: {  	s3 =	stileid.u32;
	s2 =	rddreg [dreg:$0x1];
	s9 =	simm.s32 $0x3200  }
0x3: {  	s10 =	simm.s32 $0xA;
	s11 =	simm.s32 $0x1;
	s12 =	simm.s32 $0xC8  }
0x4: {  	s13 =	simm.s32 $0x9600;
	s15 =	simm.s32 $0xC800;
	s16 =	simm.s32 $0xFA00  }
0x5: {  	s17 =	simm.s32 $0x2;
	s18 =	simm.s32 $0x12C00;
	s19 =	simm.s32 $0x3  }
0x6: {  	s20 =	simm.s32 $0x6;
	s21 =	simm.s32 $0x4;
	s22 =	simm.s32 $0x7  }
0x7: {  	s23 =	simm.s32 $0x5;
	s24 =	simm.s32 $0x8;
	s25 =	simm.s32 $0x9  }
0x8: {  	s1 =	sand.u32 $0x1, s1;
	s4 =	sshll.u32 s3, $0x1;
	s3 =	simm.s32 $0x0  }
0x9: {  	s26 =	simm.s32 $0x0;
	s8 =	sor.u32 s1, s4;
	[smem:$0x7FF] =	sst s3  }
0xa: {  	s1 =	ssub.s32 $0x2, s1;
	s4 =	sadd.s32 $0x1A000, s0;
	s5 =	smul.u32 $0xC80, s8  }
0xb: {  	_ =	strace $0x80000047;
	s6 =	sshrl.u32 s1, $0x1;
	s31 =	smul.u32 $0x4B0, s8  }
0xc: {  	s30 =	ssub.s32 s1, s6;
	s6 =	sshll.u32 s8, $0x7;
	s7 =	sadd.s32 s5, s0  }
0xd: {  	v1 =	vlaneseq.u32;
	s5 =	sadd.s32 $0x800, s0;
	s8 =	smax.u32 s30, $0x1;
	v0 =	vmov s31;
	s7 =	sadd.s32 $0x1000, s7  }
.LBB2_1:
0xe: {  	[tilespmem:s9], [sflag:$0x1] =	stream.linear.gather [hbm4b:s7+s3], $0x6400, $0x38;
	[tilespmem:$0x15E00] =	vst v63  }
0xf: {  	_ = 	snop  }
0x10: {  	[tilespmem:s3], [sflag:$0xA] =	stream.linear.gather [hbm4b:s5+s3], $0x3200, $0x38;
	[tilespmem:$0x15E00] =	vst v63  }
0x11: {  	_ =	swait.ge [sflag:s10], $0x3200  }
0x12: {  	[sflag:s10] =	ssyncset.done $0x0  }
0x13: {  	v2 =	vor.u32 s3, v1;
	[sflag:s10] =	ssyncadd.s32 $0xFFFFCE00  }
0x14: {  	s14 =	simm.s32 $0x20;
	v3 =	vmulhi.u32 $0x51EB851F, v2;
	_ =	swait.ge [sflag:s11], $0x6400  }
0x15: {  	s31 =	simm.s32 $0x30;
	v7 =	vor.u32 s14, v1;
	[sflag:s11] =	ssyncset.done $0x0  }
0x16: {  	s0 =	simm.s32 $0x10;
	s28 =	simm.s32 $0x3220;
	v9 =	vor.u32 s31, v1;
	v8 =	vmulhi.u32 $0x51EB851F, v7;
	v3 =	vshrl.u32 v3, $0x6;
	[sflag:s11] =	ssyncadd.s32 $0xFFFF9C00  }
0x17: {  	v4 =	vor.u32 s0, v1;
	v10 =	vmulhi.u32 $0x51EB851F, v9;
	v3 =	vmul.u32 $0xC8, v3;
	v5 =	vld [tilespmem:s28+$0xFFFFFFE0]  }
0x18: {  	v6 =	vmulhi.u32 $0x51EB851F, v4;
	v8 =	vshrl.u32 v8, $0x6  }
0x19: {  	v10 =	vshrl.u32 v10, $0x6;
	v2 =	vsub.s32 v2, v3;
	v3 =	vmul.u32 $0xC8, v8;
	v11 =	vld [tilespmem:s28+$0x0]  }
0x1a: {  	v6 =	vshrl.u32 v6, $0x6;
	v10 =	vmul.u32 $0xC8, v10;
	v62 =	vld [tilespmem:s28+$0x10]  }
0x1b: {  	v6 =	vmul.u32 $0xC8, v6;
	v2 =	vadd.s32 $0x3E8, v2;
	v3 =	vsub.s32 v7, v3  }
0x1c: {  	v7 =	vsub.s32 v9, v10;
	v3 =	vadd.s32 $0x3E8, v3;
	vm0 =	vgt.s32 v5, $0x0  }
0x1d: {  	v7 =	vadd.s32 $0x3E8, v7;
	vm1 =	veq.s32 v5, $0x2;
	v5 =	vnsel vm0, $0x0, v5  }
0x1e: {  	vm0 =	vgt.s32 v11, $0x0;
	v5 =	vsel vm1, v2, v5;
	v2 =	vld [tilespmem:s28+$0xFFFFFFF0];
	vm1 =	veq.s32 v11, $0x2  }
0x1f: {  	v63 =	vnsel vm0, $0x0, v11;
	vm0 =	vgt.s32 v62, $0x0;
	v5 =	vmin.u32 v5, $0x4AF  }
0x20: {  	v3 =	vsel vm1, v3, v63;
	vm1 =	veq.s32 v62, $0x2;
	v8 =	vnsel vm0, $0x0, v62  }
0x21: {  	v5 =	vadd.s32 v0, v5;
	v3 =	vmin.u32 v3, $0x4AF;
	v7 =	vsel vm1, v7, v8  }
0x22: {  	v4 =	vsub.s32 v4, v6;
	[tilespmem:s28+$0xFFFFFFE0] =	vst v5;
	v5 =	vadd.s32 v0, v3;
	v6 =	vmin.u32 v7, $0x4AF  }
0x23: {  	s29 =	simm.s32 $0x0;
	s30 =	simm.s32 $0x40;
	s1 =	simm.s32 $0x3220;
	v3 =	vadd.s32 $0x3E8, v4;
	[tilespmem:s28+$0x0] =	vst v5;
	v4 =	vadd.s32 v0, v6;
	vm0 =	vgt.s32 v2, $0x0  }
.LBB2_2:
0x24: {  	v5 =	vor.u32 s30, v1;
	s0 =	sadd.s32 $0x10, s30;
	vm1 =	veq.s32 v2, $0x2;
	v2 =	vnsel vm0, $0x0, v2;
	[tilespmem:s28+$0x10] =	vst v4  }
0x25: {  	s28 =	sadd.s32 $0x40, s28;
	v4 =	vmulhi.u32 $0x51EB851F, v5;
	v6 =	vor.u32 s0, v1;
	s0 =	sadd.s32 $0x20, s30;
	v2 =	vsel vm1, v3, v2  }
0x26: {  	v3 =	vld [tilespmem:s28+$0xFFFFFFE0];
	v7 =	vmulhi.u32 $0x51EB851F, v6;
	v8 =	vor.u32 s0, v1;
	s0 =	sadd.s32 $0x30, s30;
	v9 =	vmin.u32 v2, $0x4AF  }
0x27: {  	v4 =	vshrl.u32 v4, $0x6;
	v2 =	vld [tilespmem:s28+$0xFFFFFFF0];
	v10 =	vmulhi.u32 $0x51EB851F, v8;
	v11 =	vor.u32 s0, v1  }
0x28: {  	s29 =	sadd.s32 $0x4, s29;
	v4 =	vmul.u32 $0xC8, v4;
	v7 =	vshrl.u32 v7, $0x6;
	v12 =	vmulhi.u32 $0x51EB851F, v11  }
0x29: {  	p0 =	slt.u32 s29, $0x63C;
	v9 =	vadd.s32 v0, v9;
	v7 =	vmul.u32 $0xC8, v7;
	v13 =	vld [tilespmem:s28+$0x0];
	v10 =	vshrl.u32 v10, $0x6  }
0x2a: {  	v4 =	vsub.s32 v5, v4;
	v5 =	vmul.u32 $0xC8, v10;
	v10 =	vld [tilespmem:s28+$0x10];
	v12 =	vshrl.u32 v12, $0x6;
	[tilespmem:s1+$0xFFFFFFF0] =	vst v9;
	s1 =	smov.u32 s28  }
0x2b: {  	v4 =	vadd.s32 $0x3E8, v4;
	vm0 =	vgt.s32 v3, $0x0;
	v9 =	vmul.u32 $0xC8, v12  }
0x2c: {  	vm1 =	veq.s32 v3, $0x2;
	v3 =	vnsel vm0, $0x0, v3;
	v5 =	vsub.s32 v8, v5  }
0x2d: {  	v3 =	vsel vm1, v4, v3;
	v4 =	vadd.s32 $0x3E8, v5;
	v5 =	vsub.s32 v11, v9  }
0x2e: {  	v3 =	vmin.u32 v3, $0x4AF;
	vm0 =	vgt.s32 v13, $0x0;
	v5 =	vadd.s32 $0x3E8, v5  }
.Ltmp0:
0x2f: {  	vm1 =	veq.s32 v13, $0x2;
	v8 =	vnsel vm0, $0x0, v13;
	vm0 =	vgt.s32 v10, $0x0;
	(pc) =	sbr.rel @p0 .LBB2_2-.Ltmp0, $4  }
0x30: {  	v4 =	vsel vm1, v4, v8;
	vm1 =	veq.s32 v10, $0x2;
	v8 =	vnsel vm0, $0x0, v10  }
0x31: {  	v3 =	vadd.s32 v0, v3;
	v4 =	vmin.u32 v4, $0x4AF;
	v5 =	vsel vm1, v5, v8  }
0x32: {  	[tilespmem:s28+$0xFFFFFFE0] =	vst v3;
	v3 =	vsub.s32 v6, v7;
	v4 =	vadd.s32 v0, v4;
	v5 =	vmin.u32 v5, $0x4AF  }
0x33: {  	s30 =	sadd.s32 $0x40, s30;
	vm0 =	vgt.s32 v2, $0x0;
	v3 =	vadd.s32 $0x3E8, v3;
	[tilespmem:s28+$0x0] =	vst v4;
	v4 =	vadd.s32 v0, v5  }
0x34: {  	vm1 =	veq.s32 v2, $0x2;
	v2 =	vnsel vm0, $0x0, v2  }
0x35: {  	v2 =	vsel vm1, v3, v2  }
0x36: {  	v2 =	vmin.u32 v2, $0x4AF  }
0x37: {  	[tilespmem:s28+$0x10] =	vst v4;
	v2 =	vadd.s32 v0, v2  }
0x38: {  	[tilespmem:s1+$0xFFFFFFF0] =	vst v2  }
0x39: {  	[tilespmem:s13], [sflag:$0x2] =	stream.indirect.gather [hbm4b:s4+s12], $0x40, s9, s12, $0xb8;
	[tilespmem:$0x15E00] =	vst v63  }
0x3a: {  	s0 =	simm.s32 $0x32C8;
	s28 =	simm.s32 $0x0  }
0x3b: {  	[tilespmem:s15], [sflag:$0x3] =	stream.indirect.gather [hbm4b:s4+s12], $0x40, s0, s12, $0xb8;
	[tilespmem:$0x15E00] =	vst v63  }
.LBB2_4:
0x3c: {  	s31 =	sshll.u32 s28, $0x2  }
0x3d: {  	p0 =	seq.s32 s28, $0x0;
	s29 =	sor.u32 $0x2, s31  }
0x3e: {  	s0 =	simm.s32 @!p0 $0x8;
	s1 =	smul.u32 $0x320, s29  }
0x3f: {  	_ =	swait.ge @!p0 [sflag:s0], $0x3200  }
0x40: {  	[sflag:s0] =	ssyncset.done @!p0 $0x0;
	s1 =	sshra.s32 s1, $0x2  }
0x41: {  	[sflag:s0] =	ssyncadd.s32 @!p0 $0xFFFFCE00;
	s14 =	sadd.s32 $0x3200, s1  }
0x42: {  	[tilespmem:s16], [sflag:$0x4] =	stream.indirect.gather [hbm4b:s4+s12], $0x40, s14, s12, $0xb8;
	[tilespmem:$0x15E00] =	vst v63  }
0x43: {  	_ =	swait.ge [sflag:s17], $0x3200  }
0x44: {  	[sflag:s17] =	ssyncset.done $0x0  }
0x45: {  	s1 =	simm.s32 $0x0;
	[sflag:s17] =	ssyncadd.s32 $0xFFFFCE00  }
0x46: {  	v2 =	vld [tilespmem:s1+$0xF0]  }
0x47: {  	v3 =	vld [tilespmem:s1+$0x0]  }
0x48: {  	v4 =	vld [tilespmem:s1+$0x10]  }
0x49: {  	v5 =	vld [tilespmem:s1+$0x20]  }
0x4a: {  	v6 =	vld [tilespmem:s1+$0x30]  }
0x4b: {  	v7 =	vld [tilespmem:s1+$0x40]  }
0x4c: {  	v8 =	vld [tilespmem:s1+$0x50]  }
0x4d: {  	v9 =	vld [tilespmem:s1+$0x60]  }
0x4e: {  	v10 =	vld [tilespmem:s1+$0x70]  }
0x4f: {  	v11 =	vld [tilespmem:s1+$0x80]  }
0x50: {  	v12 =	vld [tilespmem:s1+$0x90]  }
0x51: {  	v13 =	vld [tilespmem:s1+$0xA0]  }
0x52: {  	v14 =	vld [tilespmem:s1+$0xB0]  }
0x53: {  	v15 =	vld [tilespmem:s1+$0xC0]  }
0x54: {  	v16 =	vld [tilespmem:s1+$0xD0]  }
0x55: {  	[tilespmem:s1+$0x96F0] =	vst.add.f32.msk $0xffff, v2  }
0x56: {  	v2 =	vld [tilespmem:s1+$0xE0]  }
0x57: {  	[tilespmem:s1+$0x9600] =	vst.add.f32.msk $0xffff, v3  }
0x58: {  	[tilespmem:s1+$0x9610] =	vst.add.f32.msk $0xffff, v4  }
0x59: {  	[tilespmem:s1+$0x9620] =	vst.add.f32.msk $0xffff, v5  }
0x5a: {  	[tilespmem:s1+$0x9630] =	vst.add.f32.msk $0xffff, v6  }
0x5b: {  	[tilespmem:s1+$0x9640] =	vst.add.f32.msk $0xffff, v7  }
0x5c: {  	[tilespmem:s1+$0x9650] =	vst.add.f32.msk $0xffff, v8  }
0x5d: {  	[tilespmem:s1+$0x9660] =	vst.add.f32.msk $0xffff, v9  }
0x5e: {  	[tilespmem:s1+$0x9670] =	vst.add.f32.msk $0xffff, v10  }
0x5f: {  	[tilespmem:s1+$0x9680] =	vst.add.f32.msk $0xffff, v11  }
0x60: {  	[tilespmem:s1+$0x9690] =	vst.add.f32.msk $0xffff, v12  }
0x61: {  	[tilespmem:s1+$0x96A0] =	vst.add.f32.msk $0xffff, v13  }
0x62: {  	[tilespmem:s1+$0x96B0] =	vst.add.f32.msk $0xffff, v14  }
0x63: {  	[tilespmem:s1+$0x96C0] =	vst.add.f32.msk $0xffff, v15  }
0x64: {  	s30 =	simm.s32 $0x0;
	s0 =	simm.s32 $0x400;
	[tilespmem:s1+$0x96D0] =	vst.add.f32.msk $0xffff, v16  }
.LBB2_5:
0x65: {  	s30 =	sadd.s32 $0x4, s30;
	[tilespmem:s1+$0x96E0] =	vst.add.f32.msk $0xffff, v2;
	s1 =	sshra.s32 s0, $0x2  }
0x66: {  	v2 =	vld [tilespmem:s1+$0xF0];
	p1 =	slt.u32 s30, $0xC4  }
0x67: {  	v3 =	vld [tilespmem:s1+$0x0]  }
0x68: {  	v4 =	vld [tilespmem:s1+$0x10]  }
0x69: {  	v5 =	vld [tilespmem:s1+$0x20]  }
0x6a: {  	v6 =	vld [tilespmem:s1+$0x30]  }
0x6b: {  	[tilespmem:s1+$0x96F0] =	vst.add.f32.msk $0xffff, v2  }
0x6c: {  	v7 =	vld [tilespmem:s1+$0x40]  }
0x6d: {  	v8 =	vld [tilespmem:s1+$0x50]  }
0x6e: {  	v9 =	vld [tilespmem:s1+$0x60]  }
0x6f: {  	v10 =	vld [tilespmem:s1+$0x70]  }
0x70: {  	v11 =	vld [tilespmem:s1+$0x80]  }
0x71: {  	v12 =	vld [tilespmem:s1+$0x90]  }
0x72: {  	v13 =	vld [tilespmem:s1+$0xA0]  }
0x73: {  	v14 =	vld [tilespmem:s1+$0xB0]  }
0x74: {  	v15 =	vld [tilespmem:s1+$0xC0]  }
0x75: {  	v16 =	vld [tilespmem:s1+$0xD0]  }
0x76: {  	v2 =	vld [tilespmem:s1+$0xE0]  }
0x77: {  	[tilespmem:s1+$0x9600] =	vst.add.f32.msk $0xffff, v3  }
0x78: {  	[tilespmem:s1+$0x9610] =	vst.add.f32.msk $0xffff, v4  }
0x79: {  	[tilespmem:s1+$0x9620] =	vst.add.f32.msk $0xffff, v5  }
0x7a: {  	[tilespmem:s1+$0x9630] =	vst.add.f32.msk $0xffff, v6  }
0x7b: {  	[tilespmem:s1+$0x9640] =	vst.add.f32.msk $0xffff, v7  }
0x7c: {  	[tilespmem:s1+$0x9650] =	vst.add.f32.msk $0xffff, v8  }
0x7d: {  	[tilespmem:s1+$0x9660] =	vst.add.f32.msk $0xffff, v9  }
0x7e: {  	[tilespmem:s1+$0x9670] =	vst.add.f32.msk $0xffff, v10  }
0x7f: {  	[tilespmem:s1+$0x9680] =	vst.add.f32.msk $0xffff, v11  }
.Ltmp1:
0x80: {  	[tilespmem:s1+$0x9690] =	vst.add.f32.msk $0xffff, v12;
	(pc) =	sbr.rel @p1 .LBB2_5-.Ltmp1, $4  }
0x81: {  	[tilespmem:s1+$0x96A0] =	vst.add.f32.msk $0xffff, v13  }
0x82: {  	[tilespmem:s1+$0x96B0] =	vst.add.f32.msk $0xffff, v14  }
0x83: {  	[tilespmem:s1+$0x96C0] =	vst.add.f32.msk $0xffff, v15  }
0x84: {  	s0 =	sadd.s32 $0x400, s0;
	[tilespmem:s1+$0x96D0] =	vst.add.f32.msk $0xffff, v16  }
0x85: {  	s0 =	sadd.s32 s6, s31  }
0x86: {  	s0 =	smul.u32 $0x640, s0;
	_ =	sdelay $0x1  }
0x87: {  	[tilespmem:s1+$0x96E0] =	vst.add.f32.msk $0xffff, v2;
	s30 =	sor.u32 $0x3, s31;
	s0 =	sadd.s32 s2, s0  }
0x88: {  	[hbm4b:s0+s3] =	stream.linear.scatter [tilespmem:s13], [sflag:$0x6], $0x3200, $0x38;
	[tilespmem:$0x15E00] =	vst v63  }
0x89: {  	s14 =	smul.u32 $0x320, s30;
	s0 =	simm.s32 @!p0 $0x9  }
0x8a: {  	_ =	swait.ge @!p0 [sflag:s0], $0x3200  }
0x8b: {  	s1 =	sshra.s32 s14, $0x2;
	[sflag:s0] =	ssyncset.done @!p0 $0x0  }
0x8c: {  	s14 =	sadd.s32 $0x3200, s1;
	[sflag:s0] =	ssyncadd.s32 @!p0 $0xFFFFCE00  }
0x8d: {  	[tilespmem:s18], [sflag:$0x5] =	stream.indirect.gather [hbm4b:s4+s12], $0x40, s14, s12, $0xb8;
	[tilespmem:$0x15E00] =	vst v63  }
0x8e: {  	_ =	swait.ge [sflag:s19], $0x3200  }
0x8f: {  	[sflag:s19] =	ssyncset.done $0x0  }
0x90: {  	s1 =	simm.s32 $0x0;
	[sflag:s19] =	ssyncadd.s32 $0xFFFFCE00  }
0x91: {  	v2 =	vld [tilespmem:s1+$0xF0]  }
0x92: {  	v3 =	vld [tilespmem:s1+$0x0]  }
0x93: {  	v4 =	vld [tilespmem:s1+$0x10]  }
0x94: {  	v5 =	vld [tilespmem:s1+$0x20]  }
0x95: {  	v6 =	vld [tilespmem:s1+$0x30]  }
0x96: {  	v7 =	vld [tilespmem:s1+$0x40]  }
0x97: {  	v8 =	vld [tilespmem:s1+$0x50]  }
0x98: {  	v9 =	vld [tilespmem:s1+$0x60]  }
0x99: {  	v10 =	vld [tilespmem:s1+$0x70]  }
0x9a: {  	v11 =	vld [tilespmem:s1+$0x80]  }
0x9b: {  	v12 =	vld [tilespmem:s1+$0x90]  }
0x9c: {  	v13 =	vld [tilespmem:s1+$0xA0]  }
0x9d: {  	v14 =	vld [tilespmem:s1+$0xB0]  }
0x9e: {  	v15 =	vld [tilespmem:s1+$0xC0]  }
0x9f: {  	v16 =	vld [tilespmem:s1+$0xD0]  }
0xa0: {  	[tilespmem:s1+$0xC8F0] =	vst.add.f32.msk $0xffff, v2  }
0xa1: {  	v2 =	vld [tilespmem:s1+$0xE0]  }
0xa2: {  	[tilespmem:s1+$0xC800] =	vst.add.f32.msk $0xffff, v3  }
0xa3: {  	[tilespmem:s1+$0xC810] =	vst.add.f32.msk $0xffff, v4  }
0xa4: {  	[tilespmem:s1+$0xC820] =	vst.add.f32.msk $0xffff, v5  }
0xa5: {  	[tilespmem:s1+$0xC830] =	vst.add.f32.msk $0xffff, v6  }
0xa6: {  	[tilespmem:s1+$0xC840] =	vst.add.f32.msk $0xffff, v7  }
0xa7: {  	[tilespmem:s1+$0xC850] =	vst.add.f32.msk $0xffff, v8  }
0xa8: {  	[tilespmem:s1+$0xC860] =	vst.add.f32.msk $0xffff, v9  }
0xa9: {  	[tilespmem:s1+$0xC870] =	vst.add.f32.msk $0xffff, v10  }
0xaa: {  	[tilespmem:s1+$0xC880] =	vst.add.f32.msk $0xffff, v11  }
0xab: {  	[tilespmem:s1+$0xC890] =	vst.add.f32.msk $0xffff, v12  }
0xac: {  	[tilespmem:s1+$0xC8A0] =	vst.add.f32.msk $0xffff, v13  }
0xad: {  	[tilespmem:s1+$0xC8B0] =	vst.add.f32.msk $0xffff, v14  }
0xae: {  	[tilespmem:s1+$0xC8C0] =	vst.add.f32.msk $0xffff, v15  }
0xaf: {  	s31 =	sor.u32 $0x1, s31;
	s0 =	simm.s32 $0x0;
	s14 =	simm.s32 $0x400;
	[tilespmem:s1+$0xC8D0] =	vst.add.f32.msk $0xffff, v16  }
.LBB2_7:
0xb0: {  	s0 =	sadd.s32 $0x4, s0;
	[tilespmem:s1+$0xC8E0] =	vst.add.f32.msk $0xffff, v2;
	s1 =	sshra.s32 s14, $0x2  }
0xb1: {  	v2 =	vld [tilespmem:s1+$0xF0];
	p0 =	slt.u32 s0, $0xC4  }
0xb2: {  	v3 =	vld [tilespmem:s1+$0x0]  }
0xb3: {  	v4 =	vld [tilespmem:s1+$0x10]  }
0xb4: {  	v5 =	vld [tilespmem:s1+$0x20]  }
0xb5: {  	v6 =	vld [tilespmem:s1+$0x30]  }
0xb6: {  	[tilespmem:s1+$0xC8F0] =	vst.add.f32.msk $0xffff, v2  }
0xb7: {  	v7 =	vld [tilespmem:s1+$0x40]  }
0xb8: {  	v8 =	vld [tilespmem:s1+$0x50]  }
0xb9: {  	v9 =	vld [tilespmem:s1+$0x60]  }
0xba: {  	v10 =	vld [tilespmem:s1+$0x70]  }
0xbb: {  	v11 =	vld [tilespmem:s1+$0x80]  }
0xbc: {  	v12 =	vld [tilespmem:s1+$0x90]  }
0xbd: {  	v13 =	vld [tilespmem:s1+$0xA0]  }
0xbe: {  	v14 =	vld [tilespmem:s1+$0xB0]  }
0xbf: {  	v15 =	vld [tilespmem:s1+$0xC0]  }
0xc0: {  	v16 =	vld [tilespmem:s1+$0xD0]  }
0xc1: {  	v2 =	vld [tilespmem:s1+$0xE0]  }
0xc2: {  	[tilespmem:s1+$0xC800] =	vst.add.f32.msk $0xffff, v3  }
0xc3: {  	[tilespmem:s1+$0xC810] =	vst.add.f32.msk $0xffff, v4  }
0xc4: {  	[tilespmem:s1+$0xC820] =	vst.add.f32.msk $0xffff, v5  }
0xc5: {  	[tilespmem:s1+$0xC830] =	vst.add.f32.msk $0xffff, v6  }
0xc6: {  	[tilespmem:s1+$0xC840] =	vst.add.f32.msk $0xffff, v7  }
0xc7: {  	[tilespmem:s1+$0xC850] =	vst.add.f32.msk $0xffff, v8  }
0xc8: {  	[tilespmem:s1+$0xC860] =	vst.add.f32.msk $0xffff, v9  }
0xc9: {  	[tilespmem:s1+$0xC870] =	vst.add.f32.msk $0xffff, v10  }
0xca: {  	[tilespmem:s1+$0xC880] =	vst.add.f32.msk $0xffff, v11  }
.Ltmp2:
0xcb: {  	[tilespmem:s1+$0xC890] =	vst.add.f32.msk $0xffff, v12;
	(pc) =	sbr.rel @p0 .LBB2_7-.Ltmp2, $4  }
0xcc: {  	[tilespmem:s1+$0xC8A0] =	vst.add.f32.msk $0xffff, v13  }
0xcd: {  	[tilespmem:s1+$0xC8B0] =	vst.add.f32.msk $0xffff, v14  }
0xce: {  	[tilespmem:s1+$0xC8C0] =	vst.add.f32.msk $0xffff, v15  }
0xcf: {  	s14 =	sadd.s32 $0x400, s14;
	[tilespmem:s1+$0xC8D0] =	vst.add.f32.msk $0xffff, v16  }
0xd0: {  	s0 =	sadd.s32 s6, s31  }
0xd1: {  	s0 =	smul.u32 $0x640, s0;
	_ =	sdelay $0x1  }
0xd2: {  	[tilespmem:s1+$0xC8E0] =	vst.add.f32.msk $0xffff, v2;
	p0 =	seq.s32 s28, $0x1F;
	s0 =	sadd.s32 s2, s0  }
0xd3: {  	[hbm4b:s0+s3] =	stream.linear.scatter [tilespmem:s15], [sflag:$0x7], $0x3200, $0x38;
	[tilespmem:$0x15E00] =	vst v63  }
0xd4: {  	s0 =	smul.u32 @!p0 $0xC80, s28  }
0xd5: {  	_ =	swait.ge [sflag:s20], $0x3200  }
0xd6: {  	s1 =	simm.s32 @!p0 $0xC8;
	[sflag:s20] =	ssyncset.done $0x0;
	s31 =	sshra.s32 @!p0 s0, $0x2  }
0xd7: {  	s14 =	simm.s32 @!p0 $0x9600;
	[sflag:s20] =	ssyncadd.s32 $0xFFFFCE00;
	s0 =	sadd.s32 @!p0 $0x3520, s31  }
0xd8: {  	[tilespmem:s14], [sflag:$0x2] =	stream.indirect.gather @!p0 [hbm4b:s4+s1], $0x40, s0, s1, $0xb8;
	[tilespmem:$0x15E00] =	vst v63  }
0xd9: {  	_ =	swait.ge [sflag:s21], $0x3200  }
0xda: {  	[sflag:s21] =	ssyncset.done $0x0  }
0xdb: {  	s1 =	simm.s32 $0x0;
	[sflag:s21] =	ssyncadd.s32 $0xFFFFCE00  }
0xdc: {  	v2 =	vld [tilespmem:s1+$0xF0]  }
0xdd: {  	v3 =	vld [tilespmem:s1+$0x0]  }
0xde: {  	v4 =	vld [tilespmem:s1+$0x10]  }
0xdf: {  	v5 =	vld [tilespmem:s1+$0x20]  }
0xe0: {  	v6 =	vld [tilespmem:s1+$0x30]  }
0xe1: {  	v7 =	vld [tilespmem:s1+$0x40]  }
0xe2: {  	v8 =	vld [tilespmem:s1+$0x50]  }
0xe3: {  	v9 =	vld [tilespmem:s1+$0x60]  }
0xe4: {  	v10 =	vld [tilespmem:s1+$0x70]  }
0xe5: {  	v11 =	vld [tilespmem:s1+$0x80]  }
0xe6: {  	v12 =	vld [tilespmem:s1+$0x90]  }
0xe7: {  	v13 =	vld [tilespmem:s1+$0xA0]  }
0xe8: {  	v14 =	vld [tilespmem:s1+$0xB0]  }
0xe9: {  	v15 =	vld [tilespmem:s1+$0xC0]  }
0xea: {  	v16 =	vld [tilespmem:s1+$0xD0]  }
0xeb: {  	[tilespmem:s1+$0xFAF0] =	vst.add.f32.msk $0xffff, v2  }
0xec: {  	v2 =	vld [tilespmem:s1+$0xE0]  }
0xed: {  	[tilespmem:s1+$0xFA00] =	vst.add.f32.msk $0xffff, v3  }
0xee: {  	[tilespmem:s1+$0xFA10] =	vst.add.f32.msk $0xffff, v4  }
0xef: {  	[tilespmem:s1+$0xFA20] =	vst.add.f32.msk $0xffff, v5  }
0xf0: {  	[tilespmem:s1+$0xFA30] =	vst.add.f32.msk $0xffff, v6  }
0xf1: {  	[tilespmem:s1+$0xFA40] =	vst.add.f32.msk $0xffff, v7  }
0xf2: {  	[tilespmem:s1+$0xFA50] =	vst.add.f32.msk $0xffff, v8  }
0xf3: {  	[tilespmem:s1+$0xFA60] =	vst.add.f32.msk $0xffff, v9  }
0xf4: {  	[tilespmem:s1+$0xFA70] =	vst.add.f32.msk $0xffff, v10  }
0xf5: {  	[tilespmem:s1+$0xFA80] =	vst.add.f32.msk $0xffff, v11  }
0xf6: {  	[tilespmem:s1+$0xFA90] =	vst.add.f32.msk $0xffff, v12  }
0xf7: {  	[tilespmem:s1+$0xFAA0] =	vst.add.f32.msk $0xffff, v13  }
0xf8: {  	[tilespmem:s1+$0xFAB0] =	vst.add.f32.msk $0xffff, v14  }
0xf9: {  	[tilespmem:s1+$0xFAC0] =	vst.add.f32.msk $0xffff, v15  }
0xfa: {  	s0 =	simm.s32 $0x0;
	s14 =	simm.s32 $0x400;
	[tilespmem:s1+$0xFAD0] =	vst.add.f32.msk $0xffff, v16  }
.LBB2_9:
0xfb: {  	s0 =	sadd.s32 $0x4, s0;
	[tilespmem:s1+$0xFAE0] =	vst.add.f32.msk $0xffff, v2;
	s1 =	sshra.s32 s14, $0x2  }
0xfc: {  	v2 =	vld [tilespmem:s1+$0xF0];
	p1 =	slt.u32 s0, $0xC4  }
0xfd: {  	v3 =	vld [tilespmem:s1+$0x0]  }
0xfe: {  	v4 =	vld [tilespmem:s1+$0x10]  }
0xff: {  	v5 =	vld [tilespmem:s1+$0x20]  }
0x100: {  	v6 =	vld [tilespmem:s1+$0x30]  }
0x101: {  	[tilespmem:s1+$0xFAF0] =	vst.add.f32.msk $0xffff, v2  }
0x102: {  	v7 =	vld [tilespmem:s1+$0x40]  }
0x103: {  	v8 =	vld [tilespmem:s1+$0x50]  }
0x104: {  	v9 =	vld [tilespmem:s1+$0x60]  }
0x105: {  	v10 =	vld [tilespmem:s1+$0x70]  }
0x106: {  	v11 =	vld [tilespmem:s1+$0x80]  }
0x107: {  	v12 =	vld [tilespmem:s1+$0x90]  }
0x108: {  	v13 =	vld [tilespmem:s1+$0xA0]  }
0x109: {  	v14 =	vld [tilespmem:s1+$0xB0]  }
0x10a: {  	v15 =	vld [tilespmem:s1+$0xC0]  }
0x10b: {  	v16 =	vld [tilespmem:s1+$0xD0]  }
0x10c: {  	v2 =	vld [tilespmem:s1+$0xE0]  }
0x10d: {  	[tilespmem:s1+$0xFA00] =	vst.add.f32.msk $0xffff, v3  }
0x10e: {  	[tilespmem:s1+$0xFA10] =	vst.add.f32.msk $0xffff, v4  }
0x10f: {  	[tilespmem:s1+$0xFA20] =	vst.add.f32.msk $0xffff, v5  }
0x110: {  	[tilespmem:s1+$0xFA30] =	vst.add.f32.msk $0xffff, v6  }
0x111: {  	[tilespmem:s1+$0xFA40] =	vst.add.f32.msk $0xffff, v7  }
0x112: {  	[tilespmem:s1+$0xFA50] =	vst.add.f32.msk $0xffff, v8  }
0x113: {  	[tilespmem:s1+$0xFA60] =	vst.add.f32.msk $0xffff, v9  }
0x114: {  	[tilespmem:s1+$0xFA70] =	vst.add.f32.msk $0xffff, v10  }
0x115: {  	[tilespmem:s1+$0xFA80] =	vst.add.f32.msk $0xffff, v11  }
.Ltmp3:
0x116: {  	[tilespmem:s1+$0xFA90] =	vst.add.f32.msk $0xffff, v12;
	(pc) =	sbr.rel @p1 .LBB2_9-.Ltmp3, $4  }
0x117: {  	[tilespmem:s1+$0xFAA0] =	vst.add.f32.msk $0xffff, v13  }
0x118: {  	[tilespmem:s1+$0xFAB0] =	vst.add.f32.msk $0xffff, v14  }
0x119: {  	[tilespmem:s1+$0xFAC0] =	vst.add.f32.msk $0xffff, v15  }
0x11a: {  	s14 =	sadd.s32 $0x400, s14;
	[tilespmem:s1+$0xFAD0] =	vst.add.f32.msk $0xffff, v16  }
0x11b: {  	s0 =	sadd.s32 s6, s29  }
0x11c: {  	s0 =	smul.u32 $0x640, s0;
	_ =	sdelay $0x1  }
0x11d: {  	[tilespmem:s1+$0xFAE0] =	vst.add.f32.msk $0xffff, v2;
	s0 =	sadd.s32 s2, s0  }
0x11e: {  	[hbm4b:s0+s3] =	stream.linear.scatter [tilespmem:s16], [sflag:$0x8], $0x3200, $0x38;
	[tilespmem:$0x15E00] =	vst v63  }
0x11f: {  	_ =	swait.ge [sflag:s22], $0x3200  }
0x120: {  	s1 =	simm.s32 @!p0 $0xC8;
	[sflag:s22] =	ssyncset.done $0x0  }
0x121: {  	s14 =	simm.s32 @!p0 $0xC800;
	s0 =	sadd.s32 @!p0 $0x35E8, s31;
	[sflag:s22] =	ssyncadd.s32 $0xFFFFCE00  }
0x122: {  	[tilespmem:s14], [sflag:$0x3] =	stream.indirect.gather @!p0 [hbm4b:s4+s1], $0x40, s0, s1, $0xb8;
	[tilespmem:$0x15E00] =	vst v63  }
0x123: {  	_ =	swait.ge [sflag:s23], $0x3200  }
0x124: {  	[sflag:s23] =	ssyncset.done $0x0  }
0x125: {  	s1 =	simm.s32 $0x0;
	[sflag:s23] =	ssyncadd.s32 $0xFFFFCE00  }
0x126: {  	v2 =	vld [tilespmem:s1+$0xF0]  }
0x127: {  	v3 =	vld [tilespmem:s1+$0x0]  }
0x128: {  	v4 =	vld [tilespmem:s1+$0x10]  }
0x129: {  	v5 =	vld [tilespmem:s1+$0x20]  }
0x12a: {  	v6 =	vld [tilespmem:s1+$0x30]  }
0x12b: {  	v7 =	vld [tilespmem:s1+$0x40]  }
0x12c: {  	v8 =	vld [tilespmem:s1+$0x50]  }
0x12d: {  	v9 =	vld [tilespmem:s1+$0x60]  }
0x12e: {  	v10 =	vld [tilespmem:s1+$0x70]  }
0x12f: {  	v11 =	vld [tilespmem:s1+$0x80]  }
0x130: {  	v12 =	vld [tilespmem:s1+$0x90]  }
0x131: {  	v13 =	vld [tilespmem:s1+$0xA0]  }
0x132: {  	v14 =	vld [tilespmem:s1+$0xB0]  }
0x133: {  	v15 =	vld [tilespmem:s1+$0xC0]  }
0x134: {  	v16 =	vld [tilespmem:s1+$0xD0]  }
0x135: {  	[tilespmem:s1+$0x12CF0] =	vst.add.f32.msk $0xffff, v2  }
0x136: {  	v2 =	vld [tilespmem:s1+$0xE0]  }
0x137: {  	[tilespmem:s1+$0x12C00] =	vst.add.f32.msk $0xffff, v3  }
0x138: {  	[tilespmem:s1+$0x12C10] =	vst.add.f32.msk $0xffff, v4  }
0x139: {  	[tilespmem:s1+$0x12C20] =	vst.add.f32.msk $0xffff, v5  }
0x13a: {  	[tilespmem:s1+$0x12C30] =	vst.add.f32.msk $0xffff, v6  }
0x13b: {  	[tilespmem:s1+$0x12C40] =	vst.add.f32.msk $0xffff, v7  }
0x13c: {  	[tilespmem:s1+$0x12C50] =	vst.add.f32.msk $0xffff, v8  }
0x13d: {  	[tilespmem:s1+$0x12C60] =	vst.add.f32.msk $0xffff, v9  }
0x13e: {  	[tilespmem:s1+$0x12C70] =	vst.add.f32.msk $0xffff, v10  }
0x13f: {  	[tilespmem:s1+$0x12C80] =	vst.add.f32.msk $0xffff, v11  }
0x140: {  	[tilespmem:s1+$0x12C90] =	vst.add.f32.msk $0xffff, v12  }
0x141: {  	[tilespmem:s1+$0x12CA0] =	vst.add.f32.msk $0xffff, v13  }
0x142: {  	[tilespmem:s1+$0x12CB0] =	vst.add.f32.msk $0xffff, v14  }
0x143: {  	[tilespmem:s1+$0x12CC0] =	vst.add.f32.msk $0xffff, v15  }
0x144: {  	s0 =	simm.s32 $0x0;
	s14 =	simm.s32 $0x400;
	[tilespmem:s1+$0x12CD0] =	vst.add.f32.msk $0xffff, v16  }
.LBB2_11:
0x145: {  	s0 =	sadd.s32 $0x4, s0;
	[tilespmem:s1+$0x12CE0] =	vst.add.f32.msk $0xffff, v2;
	s1 =	sshra.s32 s14, $0x2  }
0x146: {  	v2 =	vld [tilespmem:s1+$0xF0];
	p0 =	slt.u32 s0, $0xC4  }
0x147: {  	v3 =	vld [tilespmem:s1+$0x0]  }
0x148: {  	v4 =	vld [tilespmem:s1+$0x10]  }
0x149: {  	v5 =	vld [tilespmem:s1+$0x20]  }
0x14a: {  	v6 =	vld [tilespmem:s1+$0x30]  }
0x14b: {  	[tilespmem:s1+$0x12CF0] =	vst.add.f32.msk $0xffff, v2  }
0x14c: {  	v7 =	vld [tilespmem:s1+$0x40]  }
0x14d: {  	v8 =	vld [tilespmem:s1+$0x50]  }
0x14e: {  	v9 =	vld [tilespmem:s1+$0x60]  }
0x14f: {  	v10 =	vld [tilespmem:s1+$0x70]  }
0x150: {  	v11 =	vld [tilespmem:s1+$0x80]  }
0x151: {  	v12 =	vld [tilespmem:s1+$0x90]  }
0x152: {  	v13 =	vld [tilespmem:s1+$0xA0]  }
0x153: {  	v14 =	vld [tilespmem:s1+$0xB0]  }
0x154: {  	v15 =	vld [tilespmem:s1+$0xC0]  }
0x155: {  	v16 =	vld [tilespmem:s1+$0xD0]  }
0x156: {  	v2 =	vld [tilespmem:s1+$0xE0]  }
0x157: {  	[tilespmem:s1+$0x12C00] =	vst.add.f32.msk $0xffff, v3  }
0x158: {  	[tilespmem:s1+$0x12C10] =	vst.add.f32.msk $0xffff, v4  }
0x159: {  	[tilespmem:s1+$0x12C20] =	vst.add.f32.msk $0xffff, v5  }
0x15a: {  	[tilespmem:s1+$0x12C30] =	vst.add.f32.msk $0xffff, v6  }
0x15b: {  	[tilespmem:s1+$0x12C40] =	vst.add.f32.msk $0xffff, v7  }
0x15c: {  	[tilespmem:s1+$0x12C50] =	vst.add.f32.msk $0xffff, v8  }
0x15d: {  	[tilespmem:s1+$0x12C60] =	vst.add.f32.msk $0xffff, v9  }
0x15e: {  	[tilespmem:s1+$0x12C70] =	vst.add.f32.msk $0xffff, v10  }
0x15f: {  	[tilespmem:s1+$0x12C80] =	vst.add.f32.msk $0xffff, v11  }
.Ltmp4:
0x160: {  	[tilespmem:s1+$0x12C90] =	vst.add.f32.msk $0xffff, v12;
	(pc) =	sbr.rel @p0 .LBB2_11-.Ltmp4, $4  }
0x161: {  	[tilespmem:s1+$0x12CA0] =	vst.add.f32.msk $0xffff, v13  }
0x162: {  	[tilespmem:s1+$0x12CB0] =	vst.add.f32.msk $0xffff, v14  }
0x163: {  	[tilespmem:s1+$0x12CC0] =	vst.add.f32.msk $0xffff, v15  }
0x164: {  	s14 =	sadd.s32 $0x400, s14;
	[tilespmem:s1+$0x12CD0] =	vst.add.f32.msk $0xffff, v16  }
0x165: {  	s28 =	sadd.s32 $0x1, s28  }
0x166: {  	p0 =	sne.s32 s28, $0x20  }
.Ltmp5:
0x167: {  	s0 =	sadd.s32 s6, s30;
	(pc) =	sbr.rel @p0 .LBB2_4-.Ltmp5, $3  }
0x168: {  	s0 =	smul.u32 $0x640, s0;
	_ =	sdelay $0x1  }
0x169: {  	[tilespmem:s1+$0x12CE0] =	vst.add.f32.msk $0xffff, v2;
	s0 =	sadd.s32 s2, s0  }
0x16a: {  	[hbm4b:s0+s3] =	stream.linear.scatter [tilespmem:s18], [sflag:$0x9], $0x3200, $0x38;
	[tilespmem:$0x15E00] =	vst v63  }
0x16b: {  	s26 =	sadd.s32 $0x1, s26  }
0x16c: {  	_ =	swait.ge [sflag:s24], $0x3200;
	p0 =	sne.s32 s26, s8  }
.Ltmp6:
0x16d: {  	[sflag:s24] =	ssyncset.done $0x0;
	(pc) =	sbr.rel @p0 .LBB2_1-.Ltmp6, $4  }
0x16e: {  	[sflag:s24] =	ssyncadd.s32 $0xFFFFCE00  }
0x16f: {  	_ =	swait.ge [sflag:s25], $0x3200  }
0x170: {  	[sflag:s25] =	ssyncset.done $0x0  }
0x171: {  	[sflag:s25] =	ssyncadd.s32 $0xFFFFCE00  }
0x172: {  	_ =	sfence.sel $0x180000  }
0x173: {  	[bflag:$0x0] =	sbarrier.arrive $0xFFFF  }
0x174: {  	_ =	strace $0x90000047  }
0x175: {  	s0 =	stileid.u32;
	[bflag:$0x2] =	sbarrier.arrive $0xFFFF  }
0x176: {  	p0 =	sne.s32 s0, $0x0;
	s0 =	rddreg [dreg:$0x2]  }
0x177: {  	s0 =	sadd.s32 @!p0 $0x100000, s0  }
0x178: {  	[sflag:s0] =	ssyncadd.tile.s32 @!p0 $0x1;
	_ =	shalt  }
.Lfunc_end2:
_tile_overlayer_lowered:
.L_overlay_start_2:
0x179: {  	(tag) =	ssettag $0x2  }
0x17a: {  	s0 =	rddreg [dreg:$0x0];
	s2 =	stileid.u32  }
0x17b: {  	s1 =	rddreg [dreg:$0x1];
	p0 =	sne.s32 s2, $0x0  }
0x17c: {  	s3 =	rddreg [dreg:$0x2];
	[bflag:$0x3] =	sbarrier.arrive $0xFFFF;
	s2 =	simm.s32 @!p0 $0x1C0A  }
0x17d: {  	[timem:s3], [sflag:s2] =	dma.local @!p0 [hbm:s0], s1  }
0x17e: {  	s0 =	simm.s32 @!p0 $0xA  }
0x17f: {  	_ =	swait.ge @!p0 [sflag:s0], s1  }
0x180: {  	s1 =	ssub.s32 @!p0 $0x0, s1;
	[sflag:s0] =	ssyncset.done @!p0 $0x0  }
0x181: {  	[sflag:s0] =	ssyncadd.s32 @!p0 s1  }
0x182: {  	[bflag:$0x3] =	sbarrier.arrive $0xFFFF  }
0x183: {  	_ =	shalt  }

// kernel: sparse-core-data-format-call.cloned.1.call-start
scs
called_computation_lowered:
.L_overlay_start_0:
0x0: {  	s2 =	sld [smem:$0x3FD9]  }
0x1: {  	s3 =	sld [smem:$0x3FFE];
	_ =	sdelay $0x1  }
0x2: {  	s1 =	srdreg.scid  }
0x3: {  	s0 =	sand.u32 $0x1, s1  }
0x4: {  	s18 =	sshll.u32 s0, $0xA;
	s2 =	sadd.s32 s3, s2  }
0x5: {  	s2 =	sadd.s32 s2, s18  }
0x6: {  	[smem:$0x3FC5] =	sst s2  }
0x7: {  	_ = 	snop  }
0x8: {  	s2 =	sld [smem:$0x3FD0];
	(tm) =	ssettm $0x1  }
0x9: {  	s19 =	sld [smem:$0x3FFB];
	_ =	sdelay $0x3  }
0xa: {  	_ =	strace s19  }
0xb: {  	s3 =	sld [smem:$0x3FFC];
	_ =	sdelay $0x3  }
0xc: {  	_ =	strace s3  }
0xd: {  	s3 =	sld [smem:$0x3FFD];
	_ =	sdelay $0x3  }
0xe: {  	_ =	strace s3  }
0xf: {  	_ =	strace $0x8FFFFFFF  }
0x10: {  	s20 =	sld [smem:$0x3FDB];
	_ =	sdelay $0x1  }
0x11: {  	s4 =	simm.s32 $_scs_section_size  }
0x12: {  	s5 =	simm.s32 $_size__tile_overlayer_lowered;
	s6 =	simm.s32 $_tile_overlayer_lowered  }
0x13: {  	s23 =	simm.s32 $0x1BFF;
	s22 =	sshll.u32 s6, $0x1;
	s3 =	sadd.s32 s4, s20  }
0x14: {  	s7 =	simm.s32 $0x0;
	s21 =	sshll.u32 s5, $0x1;
	s5 =	sadd.s32 s22, s3  }
0x15: {  	[timem:s7], [sflag:s23] =	dma.local [hbm:s5], s21  }
0x16: {  	_ =	swait.ge [sflag:s23], s21  }
0x17: {  	s4 =	ssub.s32 $0x0, s21;
	[sflag:s23] =	ssyncset.done $0x0  }
0x18: {  	[sflag:s23] =	ssyncadd.s32 s4;
	_ =	sdelay $0x1  }
0x19: {  	s24 =	simm.s32 $0x1B8B  }
0x1a: {  	_ =	swait.ge [sflag:s24], $0x1  }
0x1b: {  	[sflag:s24] =	ssyncset.done $0x0  }
0x1c: {  	s26 =	simm.s32 $0x1B8E;
	s25 =	sld [smem:$0x3FFE];
	[sflag:s24] =	ssyncadd.s32 $0xFFFFFFFF  }
0x1d: {  	s27 =	simm.s32 $execute0_lowered;
	[smem:$0x3FD2] =	sst s26  }
0x1e: {  	s5 =	sshll.u32 s27, $0x1;
	_ =	strace $0x80000049;
	[dreg:$0x1] =	wrdreg $0xFFFFFFFF  }
0x1f: {  	s28 =	simm.s32 $_size_execute0_lowered;
	s3 =	sadd.s32 s3, s5;
	[dreg:$0x0] =	wrdreg $0x0  }
0x20: {  	s5 =	sshll.u32 s28, $0x1;
	[dreg:$0x2] =	wrdreg s3  }
0x21: {  	[dreg:$0x3] =	wrdreg s5  }
0x22: {  	[dreg:$0x4] =	wrdreg $0xC0  }
0x23: {  	_ =	task [dreg:s7], $0x5FFFF  }
0x24: {  	[dreg:$0x1] =	wrdreg $0xFFFFFFFF  }
0x25: {  	[dreg:$0x0] =	wrdreg $0x60  }
0x26: {  	[dreg:$0x2] =	wrdreg s25  }
0x27: {  	[dreg:$0x3] =	wrdreg s2  }
0x28: {  	[dreg:$0x4] =	wrdreg $0x9  }
0x29: {  	_ =	task.clear_ibuf [dreg:s7], $0x5FFFF;
	_ =	strace $0x90000049  }
0x2a: {  	s29 =	simm.s32 $0x9;
	_ =	strace $0x8000004B  }
0x2b: {  	_ =	swait.ge [sflag:s29], $0x1  }
0x2c: {  	[sflag:s29] =	ssyncadd.s32 $0xFFFFFFFF  }
0x2d: {  	_ =	strace $0x9000004B  }
0x2e: {  	_ =	sfence  }
0x2f: {  	s30 =	sld [smem:$0x0];
	_ =	sdelay $0x2  }
0x30: {  	s31 =	sshll.u32 s1, $0xD;
	s1 =	sshrl.u32 s1, $0x2  }
0x31: {  	s3 =	sand.u32 $0x4000, s31;
	s1 =	sadd.s32 s1, s30  }
0x32: {  	s0 =	sor.u32 s3, s0;
	s1 =	sshll.u32 s1, $0x11  }
0x33: {  	s0 =	sor.u32 s1, s0  }
0x34: {  	s0 =	sadd.s32 $0x8F2B, s0  }
0x35: {  	[sflag:s0] =	ssyncadd.remote.s32 $0x1  }
0x36: {  	_ =	sfence.sel $0xFFFF  }
0x37: {  	[dreg:$0x0] =	wrdreg $0xFFFFFFFF;
	(pc) =	sbr.abs _section_cstart, $3  }
0x38: {  	[dreg:$0x1] =	wrdreg $0xFFFFFFFF  }
0x39: {  	_ =	task.clear_ibuf [dreg:s7], $0x2FFFF;
	_ =	strace $0x9FFFFFFF  }
0x3a: {  	(tm) =	ssettm $0x7FFFFFFF  }
0x3b: {  	_ =	shalt  }
tec
execute0_lowered:
.L_overlay_start_1:
0x0: {  	(tag) =	ssettag $0x1  }
0x1: {  	s0 =	srdreg.scid  }
0x2: {  	s1 =	sshll.u32 s0, $0x4  }
0x3: {  	s0 =	stileid.u32;
	s1 =	sand.u32 $0x10, s1  }
0x4: {  	s1 =	sor.u32 s0, s1  }
0x5: {  	s6 =	rddreg [dreg:$0x0];
	s4 =	simm.s32 $0x1;
	s2 =	sshll.u32 s1, $0x7  }
0x6: {  	s7 =	simm.s32 $0x2;
	s12 =	simm.s32 $0x0;
	s1 =	ssub.s32 $0x1000, s2  }
0x7: {  	s8 =	simm.s32 $0x8000;
	s13 =	simm.s32 $0x0;
	s3 =	sand.u32 $0xF80, s1  }
0x8: {  	s9 =	simm.s32 $0x0;
	s5 =	sshrl.u32 s1, $0xC;
	p0 =	sne.s32 s3, $0x0  }
.Ltmp0:
0x9: {  	s1 =	rddreg [dreg:$0x2];
	s4 =	simm.s32 @!p0 $0x0;
	(pc) =	sbr.rel .LBB1_1-.Ltmp0, $4  }
0xa: {  	s11 =	simm.s32 $0x0;
	s3 =	rddreg [dreg:$0x1];
	s5 =	sadd.s32 s4, s5  }
0xb: {  	_ =	strace $0x8000004A;
	s4 =	simm.s32 $0x1;
	s5 =	smul.u32 $0xC8, s5  }
0xc: {  	s6 =	sadd.s32 $0x800, s6;
	s10 =	smov.u32 s2;
	[sflag:s4] =	ssyncpa.u1 $0x0  }
0xd: {  	p0 =	por $0x0, $0x0;
	[sflag:s7] =	ssyncpa.u1 $0x0;
	s7 =	sor.u32 $0x1, s5  }
.LBB1_4:
0xe: {  	s16 =	sshll.u32 s13, $0x3;
	s17 =	sand.u32 $0x78, s13  }
0xf: {  	s30 =	sand.u32 $0x7E00, s13;
	s12 =	sshll.u32 s12, $0xF;
	s16 =	sand.u32 $0xC00, s16  }
0x10: {  	[tilespmem:s15+$0x810 ss:$0x81] =	vst.msk $0xffff, v2;
	s31 =	sand.u32 $0x7, s13;
	s16 =	sor.u32 s17, s16;
	s17 =	sadd.s32 s3, s30  }
0x11: {  	[tilespmem:s15+$0x1020 ss:$0x81] =	vst.msk $0xffff, v0;
	s13 =	sshll.u32 s31, $0x12;
	s12 =	sadd.s32 s12, s17;
	s16 =	sshrl.u32 s16, $0x3  }
0x12: {  	[tilespmem:s15+$0x0 ss:$0x81] =	vst.msk $0xffff, v1;
	s13 =	sor.u32 $0x400, s13;
	s12 =	sadd.s32 s16, s12  }
0x13: {  	[hbm4b:s12+s13] =	stream.strided.scatter [tilespmem:s14], [sflag:$0x2], $0x2000, s8, s13, $0x20;
	[tilespmem:$0x8080] =	vst v63  }
.LBB1_5:
0x14: {  	s14 =	sadd.s32 $0x1, s9  }
0x15: {  	s12 =	sadd.s32 $0x1000, s10;
	s16 =	smov.u32 s10;
	p2 =	sgt.s32 s14, $0xC7  }
0x16: {  	s16 =	smov.u32 @p2 s12  }
0x17: {  	s14 =	simm.s32 @p2 $0x0;
	p2 =	sgt.s32 s16, $0xFFF  }
0x18: {  	s16 =	smov.u32 @p2 s2;
	p2 =	sne.s32 s11, s7  }
.Ltmp1:
0x19: {  	p1 =	slt.u32 s11, $0x2;
	(pc) =	sbr.rel @!p2 .LBB1_6-.Ltmp1, $4  }
0x1a: {  	s15 =	simm.s32 @!p1 $0x2  }
0x1b: {  	s13 =	smov.u32 s10;
	p0 =	por !p0, !p0;
	_ =	swait.ge @!p1 [sflag:s15], $0x2000  }
0x1c: {  	s12 =	smov.u32 s9;
	[sflag:s15] =	ssyncset.done @!p1 $0x0;
	s9 =	smov.u32 s14  }
0x1d: {  	s11 =	sadd.s32 $0x1, s11;
	[sflag:s15] =	ssyncadd.s32 @!p1 $0xFFFFE000;
	s10 =	smov.u32 s16  }
.LBB1_1:
0x1e: {  	p1 =	sge.u32 s11, s5  }
0x1f: {  	s14 =	sand.u32 @!p1 $0x1FFFFFF, s9  }
0x20: {  	s15 =	smulhi.u32 @!p1 $0x147AE15, s14;
	_ =	sdelay $0x1  }
0x21: {  	s15 =	smul.u32 @!p1 $0xC8, s15  }
0x22: {  	s16 =	sxor.u32 @!p1 $0xFFFFFFFF, s11;
	s17 =	smul.u32 @!p1 $0xC80, s10  }
0x23: {  	s31 =	sadd.s32 $0xFFFFFFFF, s11;
	s16 =	sshll.u32 @!p1 s16, $0xD;
	s14 =	ssub.s32 @!p1 s14, s15  }
0x24: {  	s15 =	sand.u32 @!p1 $0x2000, s16;
	s16 =	sadd.s32 @!p1 s6, s17;
	s14 =	sshll.u32 @!p1 s14, $0x4  }
0x25: {  	s17 =	simm.s32 @!p1 $0x6400;
	s14 =	sadd.s32 @!p1 s14, s16;
	s16 =	simm.s32 @!p1 $0x40  }
0x26: {  	[tilespmem:s15], [sflag:$0x1] =	stream.strided.gather @!p1 [hbm4b:s14+s16], $0x2000, s17, s16, $0x38;
	[tilespmem:$0x8080] =	vst v63  }
0x27: {  	p1 =	sge.u32 s31, s5  }
.Ltmp2:
0x28: {  	_ = 	snop;
	(pc) =	sbr.rel @p1 .LBB1_5-.Ltmp2, $1  }
0x29: {  	_ =	sdelay $0x3  }
0x2a: {  	s14 =	simm.s32 $0x1  }
0x2b: {  	_ =	swait.ge [sflag:s4], $0x2000;
	s14 =	simm.s32 @!p0 $0x0  }
0x2c: {  	[sflag:s4] =	ssyncset.done $0x0;
	s15 =	sshll.u32 s14, $0xD  }
0x2d: {  	[sflag:s4] =	ssyncadd.s32 $0xFFFFE000;
	s18 =	sor.u32 $0x20, s15  }
0x2e: {  	s14 =	smul.u32 $0x8100, s14;
	v3 =	vld [tilespmem:s18+$0x10]  }
0x2f: {  	s30 =	sand.u32 $0x1, s11;
	v2 =	vld [tilespmem:s18+$0xFFFFFFF0]  }
0x30: {  	s15 =	smul.u32 $0x8100, s30;
	s14 =	sshrl.u32 s14, $0x2;
	v0 =	vld [tilespmem:s18+$0x0]  }
0x31: {  	v1 =	vld [tilespmem:s18+$0xFFFFFFE0];
	s16 =	sor.u32 $0x4000, s14  }
0x32: {  	s31 =	sshrl.u32 s15, $0x2;
	s15 =	sadd.s32 $0x0, s16  }
0x33: {  	s17 =	simm.s32 $0x4;
	s18 =	sadd.s32 $0x40, s18;
	s14 =	sor.u32 $0x4000, s31;
	[tilespmem:s15+$0x1830 ss:$0x81] =	vst.msk $0xffff, v3  }
.LBB1_3:
0x34: {  	v3 =	vld [tilespmem:s18+$0x10];
	p1 =	sne.s32 s17, $0x1FC;
	[tilespmem:s15+$0x810 ss:$0x81] =	vst.msk $0xffff, v2;
	s19 =	smov.u32 s17;
	s17 =	sadd.s32 $0x4, s17  }
.Ltmp3:
0x35: {  	v2 =	vld [tilespmem:s18+$0xFFFFFFF0];
	[tilespmem:s15+$0x1020 ss:$0x81] =	vst.msk $0xffff, v0;
	(pc) =	sbr.rel @p1 .LBB1_3-.Ltmp3, $4  }
0x36: {  	v0 =	vld [tilespmem:s18+$0x0];
	[tilespmem:s15+$0x0 ss:$0x81] =	vst.msk $0xffff, v1  }
0x37: {  	s15 =	sshra.s32 s19, $0x2;
	v1 =	vld [tilespmem:s18+$0xFFFFFFE0]  }
0x38: {  	s15 =	sadd.s32 s15, s16  }
0x39: {  	s18 =	sadd.s32 $0x40, s18;
	[tilespmem:s15+$0x1830 ss:$0x81] =	vst.msk $0xffff, v3  }
.Ltmp4:
0x3a: {  	_ = 	snop;
	(pc) =	sbr.rel .LBB1_4-.Ltmp4, $1  }
0x3b: {  	_ =	sdelay $0x3  }
.LBB1_6:
0x3c: {  	_ =	sfence.sel $0x180000  }
0x3d: {  	s2 =	simm.s32 $0x1;
	[bflag:$0x0] =	sbarrier.arrive $0xFFFF  }
0x3e: {  	s31 =	simm.s32 $0x2;
	[sflag:s2] =	ssyncpa.u1 $0x1  }
0x3f: {  	[sflag:s31] =	ssyncpa.u1 $0x1  }
0x40: {  	p0 =	sne.s32 s0, $0x0;
	_ =	strace $0x9000004A  }
0x41: {  	s0 =	sadd.s32 @!p0 $0x100000, s1;
	[bflag:$0x2] =	sbarrier.arrive $0xFFFF  }
0x42: {  	[sflag:s0] =	ssyncadd.tile.s32 @!p0 $0x1;
	_ =	shalt  }
.Lfunc_end1:
_tile_overlayer_lowered:
.L_overlay_start_2:
0x43: {  	(tag) =	ssettag $0x2  }
0x44: {  	s0 =	rddreg [dreg:$0x0];
	s2 =	stileid.u32  }
0x45: {  	s1 =	rddreg [dreg:$0x1];
	p0 =	sne.s32 s2, $0x0  }
0x46: {  	s3 =	rddreg [dreg:$0x2];
	[bflag:$0x3] =	sbarrier.arrive $0xFFFF;
	s2 =	simm.s32 @!p0 $0x1C01  }
0x47: {  	[timem:s3], [sflag:s2] =	dma.local @!p0 [hbm:s0], s1  }
0x48: {  	s0 =	simm.s32 @!p0 $0x1  }
0x49: {  	_ =	swait.ge @!p0 [sflag:s0], s1  }
0x4a: {  	s1 =	ssub.s32 @!p0 $0x0, s1;
	[sflag:s0] =	ssyncset.done @!p0 $0x0  }
0x4b: {  	[sflag:s0] =	ssyncadd.s32 @!p0 s1  }
0x4c: {  	[bflag:$0x3] =	sbarrier.arrive $0xFFFF  }
0x4d: {  	_ =	shalt  }

</sc_bundles>
